<compile_context>
chip_gen: v7x
topology: tpu7x:2x2x1
jax: 0.10.2.dev20260603
libtpu: 0.0.44.dev20260713+nightly
codegen_flags: <defaults>
</compile_context>

<pallas_src>
import functools

import jax
import jax.numpy as jnp
from jax import lax
from jax.experimental import pallas as pl
from jax.experimental.pallas import tpu as pltpu
from jax.experimental.pallas import tpu_sc as plsc

_WINDOW = 1000
_STRIDE = 200
_PAIR = 2


def _body(num_new, x_hbm, labels_hbm, out6, lbl_hbm,
          r0, r1, f0, f1, lblv, lblb, gs0, gs1, os0, os1):
    w = lax.axis_index("c") * 16 + lax.axis_index("s")
    num_samples = x_hbm.shape[0]
    h = x_hbm.shape[2]

    pltpu.sync_copy(labels_hbm, lblv)
    chunk_id = jnp.zeros((16,), jnp.int32) + (w // 16)
    chunk = jnp.zeros((16,), jnp.float32)
    for i in range(num_samples // 16):
        chunk = jnp.where(chunk_id == i, lblv[pl.ds(16 * i, 16)], chunk)
    lanes = lax.iota(jnp.int32, 16)
    val = jnp.sum(jnp.where(lanes == (w % 16), chunk, 0.0))
    lblb[...] = jnp.zeros((16,), jnp.float32) + val
    pltpu.sync_copy(lblb, lbl_hbm.at[pl.ds(w * num_new, num_new)])

    pairs_per_plane = num_samples // _PAIR

    def task_coords(k):
        p = jnp.where(k < pairs_per_plane, w, w + 32)
        c = p // h
        hc = p % h
        n = _PAIR * (k % pairs_per_plane)
        return c, hc, n

    rows = (r0, r1)
    fbufs = (f0, f1)
    gsems = (gs0, gs1)
    osems = (os0, os1)
    jlane = lax.iota(jnp.int32, 16)
    base = _STRIDE * jlane

    def stage_refs(k):
        c, hc, n = task_coords(k)
        return x_hbm.at[pl.ds(n, _PAIR), c, hc, :]

    def dst_slice(k):
        c, hc, n = task_coords(k)
        return out6.at[c, hc, :, n // 8, :, pl.ds((n % 8) * 16, 16 * _PAIR)]

    def transpose_task(b):
        rb, fb = rows[b], fbufs[b]
        for nn in range(_PAIR):
            inn = jnp.zeros((16,), jnp.int32) + nn

            def t_body(tq):
                t0 = tq * 8
                vecs = [plsc.load_gather(rb, [inn, base + (t0 + k)])
                        for k in range(8)]
                for k in range(8):
                    fb[tq, k, pl.ds(16 * nn, 16)] = vecs[k]

            plsc.parallel_loop(0, _WINDOW // 8, unroll=4)(t_body)

    num_tasks = 2 * pairs_per_plane
    pltpu.async_copy(stage_refs(jnp.int32(0)), rows[0], gsems[0])

    def task_body(i):
        for b in range(2):
            k = 2 * i + b
            pltpu.make_async_copy(stage_refs(k), rows[b], gsems[b]).wait()

            @pl.when(k < num_tasks - 1)
            def _():
                pltpu.async_copy(stage_refs(k + 1), rows[1 - b], gsems[1 - b])
                return None

            @pl.when(k >= 2)
            def _():
                pltpu.make_async_copy(fbufs[b], dst_slice(k - 2),
                                      osems[b]).wait()

            transpose_task(b)
            pltpu.async_copy(fbufs[b], dst_slice(k), osems[b])

    pl.loop(0, num_tasks // 2)(task_body)

    for b in range(2):
        pltpu.make_async_copy(fbufs[b], dst_slice(num_tasks - 2 + b),
                              osems[b]).wait()


def kernel(x, labels):
    num_samples, channels, h, w = x.shape
    num_new = (w - _WINDOW) // _STRIDE + 1
    mesh = plsc.VectorSubcoreMesh(core_axis_name="c", subcore_axis_name="s")
    out_type = (
        jax.ShapeDtypeStruct(
            (channels, h, _WINDOW // 8, (num_samples * num_new) // 128, 8, 128),
            x.dtype),
        jax.ShapeDtypeStruct((num_samples * num_new,), labels.dtype),
    )
    f = pl.kernel(
        functools.partial(_body, num_new),
        out_type=out_type,
        mesh=mesh,
        compiler_params=pltpu.CompilerParams(use_tc_tiling_on_sc=False,
                                             needs_layout_passes=False),
        scratch_types=[
            pltpu.VMEM((_PAIR, w), jnp.float32),
            pltpu.VMEM((_PAIR, w), jnp.float32),
            pltpu.VMEM((_WINDOW // 8, 8, 16 * _PAIR), jnp.float32),
            pltpu.VMEM((_WINDOW // 8, 8, 16 * _PAIR), jnp.float32),
            pltpu.VMEM((num_samples,), jnp.float32),
            pltpu.VMEM((16,), jnp.float32),
            pltpu.SemaphoreType.DMA,
            pltpu.SemaphoreType.DMA,
            pltpu.SemaphoreType.DMA,
            pltpu.SemaphoreType.DMA,
        ],
    )
    o6, lbl = f(x, labels)
    out = o6.transpose(3, 5, 0, 1, 2, 4).reshape(
        num_samples * num_new, channels, h, _WINDOW)
    return out, lbl

# --- scband reference (transcript-rebuilt; emitter-appended) ---
"""Pipeline reference for scband-sequence-windows-57037165691079 (READ-ONLY COPY).

The authoritative reference and input builder live on the scoring server;
editing this copy changes nothing except your own understanding.
"""

import jax, jax.numpy as jnp
import numpy as np

WINDOW_SIZE = 1000
WINDOW_STRIDE = 200


def setup_inputs(seed: int = 0) -> dict:
    key = jax.random.key(seed)
    k1, k2 = jax.random.split(key)
    x = jax.random.normal(k1, (32, 2, 32, 4000), dtype=jnp.float32)
    labels = jax.random.normal(k2, (32,), dtype=jnp.float32)
    return {"x": x, "labels": labels}


def reference(x, labels):
    num_samples, channels, h, w = x.shape
    num_new = (w - WINDOW_SIZE) // WINDOW_STRIDE + 1
    # gather indices for every window position: [num_new, WINDOW_SIZE]
    idx = WINDOW_STRIDE * jnp.arange(num_new)[:, None] + jnp.arange(WINDOW_SIZE)[None, :]
    # gather along time axis -> [N, C, H, num_new*WINDOW_SIZE]
    windows = jnp.take(x, idx.reshape(-1), axis=3)
    windows = windows.reshape(num_samples, channels, h, num_new, WINDOW_SIZE)
    # scatter/copy into the (N*num_new, C, H, W) output layout, matching the
    # torch loop ordering: sample-major, window-minor
    new_samples = jnp.transpose(windows, (0, 3, 1, 2, 4)).reshape(
        num_samples * num_new, channels, h, WINDOW_SIZE)
    new_labels = jnp.repeat(labels, num_new)
    # shuffle == 0 path: sorted_permutation is None, shuffle flag is 0
    return (new_samples, new_labels)

if __name__ == "__main__":
    import jax
    _d = setup_inputs()
    print(jax.jit(kernel)(*tuple(_d.values())))

</pallas_src>

<mosaic_0001>
#map = affine_map<(d0, d1) -> (0, 0, 0, 0)>
#map1 = affine_map<(d0, d1) -> (0)>
#map2 = affine_map<(d0, d1) -> (0, 0, 0, 0, 0, 0)>
module attributes {stable_mosaic.version = 14 : i64} {
  func.func @_body(%arg0: i32, %arg1: i32, %arg2: memref<32x2x32x4000xf32, #tpu.memory_space<hbm>>, %arg3: memref<32xf32, #tpu.memory_space<hbm>>, %arg4: memref<2x32x125x4x8x128xf32, #tpu.memory_space<hbm>>, %arg5: memref<512xf32, #tpu.memory_space<hbm>>, %arg6: memref<2x4000xf32, #tpu.memory_space<vmem>>, %arg7: memref<2x4000xf32, #tpu.memory_space<vmem>>, %arg8: memref<125x8x32xf32, #tpu.memory_space<vmem>>, %arg9: memref<125x8x32xf32, #tpu.memory_space<vmem>>, %arg10: memref<32xf32, #tpu.memory_space<vmem>>, %arg11: memref<16xf32, #tpu.memory_space<vmem>>, %arg12: memref<!tpu.dma_semaphore, #tpu.memory_space<semaphore_mem>>, %arg13: memref<!tpu.dma_semaphore, #tpu.memory_space<semaphore_mem>>, %arg14: memref<!tpu.dma_semaphore, #tpu.memory_space<semaphore_mem>>, %arg15: memref<!tpu.dma_semaphore, #tpu.memory_space<semaphore_mem>>) attributes {dimension_semantics = [#tpu.dimension_semantics<core_parallel>, #tpu.dimension_semantics<subcore_parallel>], iteration_bounds = array<i64: 2, 16>, scalar_prefetch = 0 : i64, scratch_operands = 10 : i64, tpu.core_type = #tpu.core_type<sc_vector_subcore>, window_params = [{transform_indices = #map}, {transform_indices = #map1}, {transform_indices = #map2}, {transform_indices = #map1}]} {
    %mul3A = arith.constant 16 : i32
    %mul3A_0 = arith.muli %arg0, %mul3A : i32
    %add3A = arith.addi %mul3A_0, %arg1 : i32
    "tpu.region"() ({
      %run_scoped3A = tpu.sem_alloc : memref<!tpu.dma_semaphore, #tpu.memory_space<semaphore_mem>>
      tpu.enqueue_dma source(%arg3 : memref<32xf32, #tpu.memory_space<hbm>>) target(%arg10 : memref<32xf32, #tpu.memory_space<vmem>>) target_semaphore(%run_scoped3A : memref<!tpu.dma_semaphore, #tpu.memory_space<semaphore_mem>>)
      tpu.wait_dma2 semaphore(%run_scoped3A : memref<!tpu.dma_semaphore, #tpu.memory_space<semaphore_mem>>) src(%arg3 : memref<32xf32, #tpu.memory_space<hbm>>) dst(%arg10 : memref<32xf32, #tpu.memory_space<vmem>>)
      tpu.yield
    }) : () -> ()
    %broadcast_in_dim3A = arith.constant 0 : i32
    %broadcast_in_dim3A_1 = vector.broadcast %broadcast_in_dim3A : i32 to vector<16xi32>
    %jit3A = arith.constant 16 : i32
    %div3A = arith.divsi %add3A, %jit3A : i32
    %sign3A = arith.constant 0 : i32
    %sign3A_2 = arith.cmpi sgt, %add3A, %sign3A : i32
    %sign3A_3 = arith.extui %sign3A_2 : i1 to i32
    %sign3A_4 = arith.constant 0 : i32
    %sign3A_5 = arith.cmpi slt, %add3A, %sign3A_4 : i32
    %sign3A_6 = arith.extui %sign3A_5 : i1 to i32
    %sign3A_7 = arith.subi %sign3A_3, %sign3A_6 : i32
    %sign3A_8 = arith.constant 0 : i32
    %sign3A_9 = arith.cmpi sgt, %jit3A, %sign3A_8 : i32
    %sign3A_10 = arith.extui %sign3A_9 : i1 to i32
    %sign3A_11 = arith.constant 0 : i32
    %sign3A_12 = arith.cmpi slt, %jit3A, %sign3A_11 : i32
    %sign3A_13 = arith.extui %sign3A_12 : i1 to i32
    %sign3A_14 = arith.subi %sign3A_10, %sign3A_13 : i32
    %ne3A = arith.cmpi ne, %sign3A_7, %sign3A_14 : i32
    %rem3A = arith.remsi %add3A, %jit3A : i32
    %ne3A_15 = arith.constant 0 : i32
    %ne3A_16 = arith.cmpi ne, %rem3A, %ne3A_15 : i32
    %and3A = arith.andi %ne3A, %ne3A_16 : i1
    %sub3A = arith.constant 1 : i32
    %sub3A_17 = arith.subi %div3A, %sub3A : i32
    %select_n3A = arith.select %and3A, %sub3A_17, %div3A : i32
    %add3A_18 = vector.broadcast %select_n3A : i32 to vector<16xi32>
    %add3A_19 = arith.addi %broadcast_in_dim3A_1, %add3A_18 : vector<16xi32>
    %broadcast_in_dim3A_20 = arith.constant 0.000000e+00 : f32
    %broadcast_in_dim3A_21 = vector.broadcast %broadcast_in_dim3A_20 : f32 to vector<16xf32>
    %eq3A = arith.constant 0 : i32
    %eq3A_22 = vector.broadcast %eq3A : i32 to vector<16xi32>
    %eq3A_23 = arith.cmpi eq, %add3A_19, %eq3A_22 : vector<16xi32>
    %get3A = arith.constant 0 : index
    %get3A_24 = tpu.vector_load %arg10[%get3A] {strides = array<i32>} : memref<32xf32, #tpu.memory_space<vmem>>, vector<16xf32>,
    %select_n3A_25 = arith.select %eq3A_23, %get3A_24, %broadcast_in_dim3A_21 : vector<16xi1>, vector<16xf32>
    %eq3A_26 = arith.constant 1 : i32
    %eq3A_27 = vector.broadcast %eq3A_26 : i32 to vector<16xi32>
    %eq3A_28 = arith.cmpi eq, %add3A_19, %eq3A_27 : vector<16xi32>
    %get3A_29 = arith.constant 16 : index
    %get3A_30 = tpu.vector_load %arg10[%get3A_29] {strides = array<i32>} : memref<32xf32, #tpu.memory_space<vmem>>, vector<16xf32>,
    %select_n3A_31 = arith.select %eq3A_28, %get3A_30, %select_n3A_25 : vector<16xi1>, vector<16xf32>
    %iota3A = tpu.iota {dimensions = array<i32: 0>} : vector<16xi32>
    %jit3A_32 = arith.constant 16 : i32
    %eq3A_33 = arith.constant 0 : i32
    %eq3A_34 = arith.cmpi eq, %jit3A_32, %eq3A_33 : i32
    %jit3A_35 = arith.constant 1 : i32
    %select_n3A_36 = arith.select %eq3A_34, %jit3A_35, %jit3A_32 : i32
    %rem3A_37 = arith.remsi %add3A, %select_n3A_36 : i32
    %ne3A_38 = arith.constant 0 : i32
    %ne3A_39 = arith.cmpi ne, %rem3A_37, %ne3A_38 : i32
    %lt3A = arith.constant 0 : i32
    %lt3A_40 = arith.cmpi slt, %rem3A_37, %lt3A : i32
    %lt3A_41 = arith.constant 0 : i32
    %lt3A_42 = arith.cmpi slt, %select_n3A_36, %lt3A_41 : i32
    %ne3A_43 = arith.xori %lt3A_40, %lt3A_42 : i1
    %and3A_44 = arith.andi %ne3A_43, %ne3A_39 : i1
    %add3A_45 = arith.addi %rem3A_37, %select_n3A_36 : i32
    %select_n3A_46 = arith.select %and3A_44, %add3A_45, %rem3A_37 : i32
    %eq3A_47 = vector.broadcast %select_n3A_46 : i32 to vector<16xi32>
    %eq3A_48 = arith.cmpi eq, %iota3A, %eq3A_47 : vector<16xi32>
    %jit3A_49 = arith.constant 0.000000e+00 : f32
    %broadcast_in_dim3A_50 = vector.broadcast %jit3A_49 : f32 to vector<16xf32>
    %select_n3A_51 = arith.select %eq3A_48, %select_n3A_31, %broadcast_in_dim3A_50 : vector<16xi1>, vector<16xf32>
    %reduce_sum3A = arith.constant true
    %reduce_sum3A_52 = vector.broadcast %reduce_sum3A : i1 to vector<16xi1>
    %reduce_sum3A_53 = tpu.scan <sum>, %select_n3A_51 masked %reduce_sum3A_52 : vector<16xf32>, vector<16xi1> -> vector<16xf32>
    %reduce_sum3A_54 = vector.extract %reduce_sum3A_53[15] : f32 from vector<16xf32>
    %broadcast_in_dim3A_55 = arith.constant 0.000000e+00 : f32
    %broadcast_in_dim3A_56 = vector.broadcast %broadcast_in_dim3A_55 : f32 to vector<16xf32>
    %add3A_57 = vector.broadcast %reduce_sum3A_54 : f32 to vector<16xf32>
    %add3A_58 = arith.addf %broadcast_in_dim3A_56, %add3A_57 : vector<16xf32>
    %swap3A = arith.constant 0 : index
    %swap3A_59 = tpu.vector_load %arg11[%swap3A] {strides = array<i32>} : memref<16xf32, #tpu.memory_space<vmem>>, vector<16xf32>,
    tpu.vector_store %arg11[%swap3A], %add3A_58 {strides = array<i32>} : memref<16xf32, #tpu.memory_space<vmem>>, vector<16xf32>,
    %mul3A_60 = arith.constant 16 : i32
    %mul3A_61 = arith.muli %add3A, %mul3A_60 : i32
    "tpu.region"() ({
      %run_scoped3A = tpu.sem_alloc : memref<!tpu.dma_semaphore, #tpu.memory_space<semaphore_mem>>
      %dma_start3A_249 = tpu.memref_slice %arg5[%mul3A_61] : memref<512xf32, #tpu.memory_space<hbm>> -> memref<16xf32, #tpu.memory_space<hbm>>
      %dma_start3A_250 = tpu.memref_slice %arg5[%mul3A_61] : memref<512xf32, #tpu.memory_space<hbm>> -> memref<16xf32, #tpu.memory_space<hbm>>
      tpu.enqueue_dma source(%arg11 : memref<16xf32, #tpu.memory_space<vmem>>) target(%dma_start3A_250 : memref<16xf32, #tpu.memory_space<hbm>>) target_semaphore(%run_scoped3A : memref<!tpu.dma_semaphore, #tpu.memory_space<semaphore_mem>>)
      %dma_wait3A_251 = tpu.memref_slice %arg5[%mul3A_61] : memref<512xf32, #tpu.memory_space<hbm>> -> memref<16xf32, #tpu.memory_space<hbm>>
      %dma_wait3A_252 = tpu.memref_slice %arg5[%mul3A_61] : memref<512xf32, #tpu.memory_space<hbm>> -> memref<16xf32, #tpu.memory_space<hbm>>
      tpu.wait_dma2 semaphore(%run_scoped3A : memref<!tpu.dma_semaphore, #tpu.memory_space<semaphore_mem>>) src(%arg11 : memref<16xf32, #tpu.memory_space<vmem>>) dst(%dma_wait3A_252 : memref<16xf32, #tpu.memory_space<hbm>>)
      tpu.yield
    }) : () -> ()
    %iota3A_62 = tpu.iota {dimensions = array<i32: 0>} : vector<16xi32>
    %mul3A_63 = arith.constant 200 : i32
    %mul3A_64 = vector.broadcast %mul3A_63 : i32 to vector<16xi32>
    %mul3A_65 = arith.muli %mul3A_64, %iota3A_62 : vector<16xi32>
    %lt3A_66 = arith.constant 0 : i32
    %lt3A_67 = arith.constant 16 : i32
    %lt3A_68 = arith.cmpi slt, %lt3A_66, %lt3A_67 : i32
    %add3A_69 = arith.constant 32 : i32
    %add3A_70 = arith.addi %add3A, %add3A_69 : i32
    %select_n3A_71 = arith.select %lt3A_68, %add3A, %add3A_70 : i32
    %jit3A_72 = arith.constant 32 : i32
    %div3A_73 = arith.divsi %select_n3A_71, %jit3A_72 : i32
    %sign3A_74 = arith.constant 0 : i32
    %sign3A_75 = arith.cmpi sgt, %select_n3A_71, %sign3A_74 : i32
    %sign3A_76 = arith.extui %sign3A_75 : i1 to i32
    %sign3A_77 = arith.constant 0 : i32
    %sign3A_78 = arith.cmpi slt, %select_n3A_71, %sign3A_77 : i32
    %sign3A_79 = arith.extui %sign3A_78 : i1 to i32
    %sign3A_80 = arith.subi %sign3A_76, %sign3A_79 : i32
    %sign3A_81 = arith.constant 0 : i32
    %sign3A_82 = arith.cmpi sgt, %jit3A_72, %sign3A_81 : i32
    %sign3A_83 = arith.extui %sign3A_82 : i1 to i32
    %sign3A_84 = arith.constant 0 : i32
    %sign3A_85 = arith.cmpi slt, %jit3A_72, %sign3A_84 : i32
    %sign3A_86 = arith.extui %sign3A_85 : i1 to i32
    %sign3A_87 = arith.subi %sign3A_83, %sign3A_86 : i32
    %ne3A_88 = arith.cmpi ne, %sign3A_80, %sign3A_87 : i32
    %rem3A_89 = arith.remsi %select_n3A_71, %jit3A_72 : i32
    %ne3A_90 = arith.constant 0 : i32
    %ne3A_91 = arith.cmpi ne, %rem3A_89, %ne3A_90 : i32
    %and3A_92 = arith.andi %ne3A_88, %ne3A_91 : i1
    %sub3A_93 = arith.constant 1 : i32
    %sub3A_94 = arith.subi %div3A_73, %sub3A_93 : i32
    %select_n3A_95 = arith.select %and3A_92, %sub3A_94, %div3A_73 : i32
    %jit3A_96 = arith.constant 32 : i32
    %eq3A_97 = arith.constant 0 : i32
    %eq3A_98 = arith.cmpi eq, %jit3A_96, %eq3A_97 : i32
    %jit3A_99 = arith.constant 1 : i32
    %select_n3A_100 = arith.select %eq3A_98, %jit3A_99, %jit3A_96 : i32
    %rem3A_101 = arith.remsi %select_n3A_71, %select_n3A_100 : i32
    %ne3A_102 = arith.constant 0 : i32
    %ne3A_103 = arith.cmpi ne, %rem3A_101, %ne3A_102 : i32
    %lt3A_104 = arith.constant 0 : i32
    %lt3A_105 = arith.cmpi slt, %rem3A_101, %lt3A_104 : i32
    %lt3A_106 = arith.constant 0 : i32
    %lt3A_107 = arith.cmpi slt, %select_n3A_100, %lt3A_106 : i32
    %ne3A_108 = arith.xori %lt3A_105, %lt3A_107 : i1
    %and3A_109 = arith.andi %ne3A_108, %ne3A_103 : i1
    %add3A_110 = arith.addi %rem3A_101, %select_n3A_100 : i32
    %select_n3A_111 = arith.select %and3A_109, %add3A_110, %rem3A_101 : i32
    %jit3A_112 = arith.constant 0 : i32
    %jit3A_113 = arith.constant 16 : i32
    %eq3A_114 = arith.constant 0 : i32
    %eq3A_115 = arith.cmpi eq, %jit3A_113, %eq3A_114 : i32
    %jit3A_116 = arith.constant 1 : i32
    %select_n3A_117 = arith.select %eq3A_115, %jit3A_116, %jit3A_113 : i32
    %rem3A_118 = arith.remsi %jit3A_112, %select_n3A_117 : i32
    %ne3A_119 = arith.constant 0 : i32
    %ne3A_120 = arith.cmpi ne, %rem3A_118, %ne3A_119 : i32
    %lt3A_121 = arith.constant 0 : i32
    %lt3A_122 = arith.cmpi slt, %rem3A_118, %lt3A_121 : i32
    %lt3A_123 = arith.constant 0 : i32
    %lt3A_124 = arith.cmpi slt, %select_n3A_117, %lt3A_123 : i32
    %ne3A_125 = arith.xori %lt3A_122, %lt3A_124 : i1
    %and3A_126 = arith.andi %ne3A_125, %ne3A_120 : i1
    %add3A_127 = arith.addi %rem3A_118, %select_n3A_117 : i32
    %select_n3A_128 = arith.select %and3A_126, %add3A_127, %rem3A_118 : i32
    %mul3A_129 = arith.constant 2 : i32
    %mul3A_130 = arith.muli %mul3A_129, %select_n3A_128 : i32
    %dma_start3A = arith.constant 0 : i32
    %dma_start3A_131 = tpu.memref_slice %arg2[%mul3A_130, %select_n3A_95, %select_n3A_111, %dma_start3A] : memref<32x2x32x4000xf32, #tpu.memory_space<hbm>> -> memref<2x1x1x4000xf32, #tpu.memory_space<hbm>>
    %dma_start3A_132 = tpu.memref_squeeze %dma_start3A_131 : memref<2x1x1x4000xf32, #tpu.memory_space<hbm>> -> memref<2x4000xf32, #tpu.memory_space<hbm>>
    %dma_start3A_133 = arith.constant 0 : i32
    %dma_start3A_134 = tpu.memref_slice %arg2[%mul3A_130, %select_n3A_95, %select_n3A_111, %dma_start3A_133] : memref<32x2x32x4000xf32, #tpu.memory_space<hbm>> -> memref<2x1x1x4000xf32, #tpu.memory_space<hbm>>
    %dma_start3A_135 = tpu.memref_squeeze %dma_start3A_134 : memref<2x1x1x4000xf32, #tpu.memory_space<hbm>> -> memref<2x4000xf32, #tpu.memory_space<hbm>>
    tpu.enqueue_dma source(%dma_start3A_135 : memref<2x4000xf32, #tpu.memory_space<hbm>>) target(%arg6 : memref<2x4000xf32, #tpu.memory_space<vmem>>) target_semaphore(%arg12 : memref<!tpu.dma_semaphore, #tpu.memory_space<semaphore_mem>>)
    %scan3A = arith.constant 0 : i32
    %scan3A_136 = arith.constant 16 : i32
    %scan3A_137 = arith.addi %scan3A, %scan3A_136 : i32
    %scan3A_138 = arith.constant 1 : i32
    scf.for %scan3A_249 = %scan3A to %scan3A_137 step %scan3A_138  : i32 {
      %mul3A_250 = arith.constant 1 : i32
      %mul3A_251 = arith.muli %scan3A_249, %mul3A_250 : i32
      %add3A_252 = arith.constant 0 : i32
      %add3A_253 = arith.addi %add3A_252, %mul3A_251 : i32
      %mul3A_254 = arith.constant 2 : i32
      %mul3A_255 = arith.muli %mul3A_254, %add3A_253 : i32
      %add3A_256 = arith.constant 0 : i32
      %add3A_257 = arith.addi %mul3A_255, %add3A_256 : i32
      %lt3A_258 = arith.constant 16 : i32
      %lt3A_259 = arith.cmpi slt, %add3A_257, %lt3A_258 : i32
      %add3A_260 = arith.constant 32 : i32
      %add3A_261 = arith.addi %add3A, %add3A_260 : i32
      %select_n3A_262 = arith.select %lt3A_259, %add3A, %add3A_261 : i32
      %jit3A_263 = arith.constant 32 : i32
      %div3A_264 = arith.divsi %select_n3A_262, %jit3A_263 : i32
      %sign3A_265 = arith.constant 0 : i32
      %sign3A_266 = arith.cmpi sgt, %select_n3A_262, %sign3A_265 : i32
      %sign3A_267 = arith.extui %sign3A_266 : i1 to i32
      %sign3A_268 = arith.constant 0 : i32
      %sign3A_269 = arith.cmpi slt, %select_n3A_262, %sign3A_268 : i32
      %sign3A_270 = arith.extui %sign3A_269 : i1 to i32
      %sign3A_271 = arith.subi %sign3A_267, %sign3A_270 : i32
      %sign3A_272 = arith.constant 0 : i32
      %sign3A_273 = arith.cmpi sgt, %jit3A_263, %sign3A_272 : i32
      %sign3A_274 = arith.extui %sign3A_273 : i1 to i32
      %sign3A_275 = arith.constant 0 : i32
      %sign3A_276 = arith.cmpi slt, %jit3A_263, %sign3A_275 : i32
      %sign3A_277 = arith.extui %sign3A_276 : i1 to i32
      %sign3A_278 = arith.subi %sign3A_274, %sign3A_277 : i32
      %ne3A_279 = arith.cmpi ne, %sign3A_271, %sign3A_278 : i32
      %rem3A_280 = arith.remsi %select_n3A_262, %jit3A_263 : i32
      %ne3A_281 = arith.constant 0 : i32
      %ne3A_282 = arith.cmpi ne, %rem3A_280, %ne3A_281 : i32
      %and3A_283 = arith.andi %ne3A_279, %ne3A_282 : i1
      %sub3A_284 = arith.constant 1 : i32
      %sub3A_285 = arith.subi %div3A_264, %sub3A_284 : i32
      %select_n3A_286 = arith.select %and3A_283, %sub3A_285, %div3A_264 : i32
      %jit3A_287 = arith.constant 32 : i32
      %eq3A_288 = arith.constant 0 : i32
      %eq3A_289 = arith.cmpi eq, %jit3A_287, %eq3A_288 : i32
      %jit3A_290 = arith.constant 1 : i32
      %select_n3A_291 = arith.select %eq3A_289, %jit3A_290, %jit3A_287 : i32
      %rem3A_292 = arith.remsi %select_n3A_262, %select_n3A_291 : i32
      %ne3A_293 = arith.constant 0 : i32
      %ne3A_294 = arith.cmpi ne, %rem3A_292, %ne3A_293 : i32
      %lt3A_295 = arith.constant 0 : i32
      %lt3A_296 = arith.cmpi slt, %rem3A_292, %lt3A_295 : i32
      %lt3A_297 = arith.constant 0 : i32
      %lt3A_298 = arith.cmpi slt, %select_n3A_291, %lt3A_297 : i32
      %ne3A_299 = arith.xori %lt3A_296, %lt3A_298 : i1
      %and3A_300 = arith.andi %ne3A_299, %ne3A_294 : i1
      %add3A_301 = arith.addi %rem3A_292, %select_n3A_291 : i32
      %select_n3A_302 = arith.select %and3A_300, %add3A_301, %rem3A_292 : i32
      %jit3A_303 = arith.constant 16 : i32
      %eq3A_304 = arith.constant 0 : i32
      %eq3A_305 = arith.cmpi eq, %jit3A_303, %eq3A_304 : i32
      %jit3A_306 = arith.constant 1 : i32
      %select_n3A_307 = arith.select %eq3A_305, %jit3A_306, %jit3A_303 : i32
      %rem3A_308 = arith.remsi %add3A_257, %select_n3A_307 : i32
      %ne3A_309 = arith.constant 0 : i32
      %ne3A_310 = arith.cmpi ne, %rem3A_308, %ne3A_309 : i32
      %lt3A_311 = arith.constant 0 : i32
      %lt3A_312 = arith.cmpi slt, %rem3A_308, %lt3A_311 : i32
      %lt3A_313 = arith.constant 0 : i32
      %lt3A_314 = arith.cmpi slt, %select_n3A_307, %lt3A_313 : i32
      %ne3A_315 = arith.xori %lt3A_312, %lt3A_314 : i1
      %and3A_316 = arith.andi %ne3A_315, %ne3A_310 : i1
      %add3A_317 = arith.addi %rem3A_308, %select_n3A_307 : i32
      %select_n3A_318 = arith.select %and3A_316, %add3A_317, %rem3A_308 : i32
      %mul3A_319 = arith.constant 2 : i32
      %mul3A_320 = arith.muli %mul3A_319, %select_n3A_318 : i32
      %dma_wait3A_321 = arith.constant 0 : i32
      %dma_wait3A_322 = tpu.memref_slice %arg2[%mul3A_320, %select_n3A_286, %select_n3A_302, %dma_wait3A_321] : memref<32x2x32x4000xf32, #tpu.memory_space<hbm>> -> memref<2x1x1x4000xf32, #tpu.memory_space<hbm>>
      %dma_wait3A_323 = tpu.memref_squeeze %dma_wait3A_322 : memref<2x1x1x4000xf32, #tpu.memory_space<hbm>> -> memref<2x4000xf32, #tpu.memory_space<hbm>>
      %dma_wait3A_324 = arith.constant 0 : i32
      %dma_wait3A_325 = tpu.memref_slice %arg2[%mul3A_320, %select_n3A_286, %select_n3A_302, %dma_wait3A_324] : memref<32x2x32x4000xf32, #tpu.memory_space<hbm>> -> memref<2x1x1x4000xf32, #tpu.memory_space<hbm>>
      %dma_wait3A_326 = tpu.memref_squeeze %dma_wait3A_325 : memref<2x1x1x4000xf32, #tpu.memory_space<hbm>> -> memref<2x4000xf32, #tpu.memory_space<hbm>>
      tpu.wait_dma2 semaphore(%arg12 : memref<!tpu.dma_semaphore, #tpu.memory_space<semaphore_mem>>) src(%dma_wait3A_326 : memref<2x4000xf32, #tpu.memory_space<hbm>>) dst(%arg6 : memref<2x4000xf32, #tpu.memory_space<vmem>>)
      %lt3A_327 = arith.constant 31 : i32
      %lt3A_328 = arith.cmpi slt, %add3A_257, %lt3A_327 : i32
      %convert_element_type3A = arith.extui %lt3A_328 : i1 to i32
      %cond3A = arith.constant 0 : i32
      %cond3A_329 = arith.cmpi ne, %convert_element_type3A, %cond3A : i32
      scf.if %cond3A_329 {
        %add3A_674 = arith.constant 1 : i32
        %add3A_675 = arith.addi %add3A_257, %add3A_674 : i32
        %lt3A_676 = arith.constant 16 : i32
        %lt3A_677 = arith.cmpi slt, %add3A_675, %lt3A_676 : i32
        %add3A_678 = arith.constant 32 : i32
        %add3A_679 = arith.addi %add3A, %add3A_678 : i32
        %select_n3A_680 = arith.select %lt3A_677, %add3A, %add3A_679 : i32
        %jit3A_681 = arith.constant 32 : i32
        %div3A_682 = arith.divsi %select_n3A_680, %jit3A_681 : i32
        %sign3A_683 = arith.constant 0 : i32
        %sign3A_684 = arith.cmpi sgt, %select_n3A_680, %sign3A_683 : i32
        %sign3A_685 = arith.extui %sign3A_684 : i1 to i32
        %sign3A_686 = arith.constant 0 : i32
        %sign3A_687 = arith.cmpi slt, %select_n3A_680, %sign3A_686 : i32
        %sign3A_688 = arith.extui %sign3A_687 : i1 to i32
        %sign3A_689 = arith.subi %sign3A_685, %sign3A_688 : i32
        %sign3A_690 = arith.constant 0 : i32
        %sign3A_691 = arith.cmpi sgt, %jit3A_681, %sign3A_690 : i32
        %sign3A_692 = arith.extui %sign3A_691 : i1 to i32
        %sign3A_693 = arith.constant 0 : i32
        %sign3A_694 = arith.cmpi slt, %jit3A_681, %sign3A_693 : i32
        %sign3A_695 = arith.extui %sign3A_694 : i1 to i32
        %sign3A_696 = arith.subi %sign3A_692, %sign3A_695 : i32
        %ne3A_697 = arith.cmpi ne, %sign3A_689, %sign3A_696 : i32
        %rem3A_698 = arith.remsi %select_n3A_680, %jit3A_681 : i32
        %ne3A_699 = arith.constant 0 : i32
        %ne3A_700 = arith.cmpi ne, %rem3A_698, %ne3A_699 : i32
        %and3A_701 = arith.andi %ne3A_697, %ne3A_700 : i1
        %sub3A_702 = arith.constant 1 : i32
        %sub3A_703 = arith.subi %div3A_682, %sub3A_702 : i32
        %select_n3A_704 = arith.select %and3A_701, %sub3A_703, %div3A_682 : i32
        %jit3A_705 = arith.constant 32 : i32
        %eq3A_706 = arith.constant 0 : i32
        %eq3A_707 = arith.cmpi eq, %jit3A_705, %eq3A_706 : i32
        %jit3A_708 = arith.constant 1 : i32
        %select_n3A_709 = arith.select %eq3A_707, %jit3A_708, %jit3A_705 : i32
        %rem3A_710 = arith.remsi %select_n3A_680, %select_n3A_709 : i32
        %ne3A_711 = arith.constant 0 : i32
        %ne3A_712 = arith.cmpi ne, %rem3A_710, %ne3A_711 : i32
        %lt3A_713 = arith.constant 0 : i32
        %lt3A_714 = arith.cmpi slt, %rem3A_710, %lt3A_713 : i32
        %lt3A_715 = arith.constant 0 : i32
        %lt3A_716 = arith.cmpi slt, %select_n3A_709, %lt3A_715 : i32
        %ne3A_717 = arith.xori %lt3A_714, %lt3A_716 : i1
        %and3A_718 = arith.andi %ne3A_717, %ne3A_712 : i1
        %add3A_719 = arith.addi %rem3A_710, %select_n3A_709 : i32
        %select_n3A_720 = arith.select %and3A_718, %add3A_719, %rem3A_710 : i32
        %jit3A_721 = arith.constant 16 : i32
        %eq3A_722 = arith.constant 0 : i32
        %eq3A_723 = arith.cmpi eq, %jit3A_721, %eq3A_722 : i32
        %jit3A_724 = arith.constant 1 : i32
        %select_n3A_725 = arith.select %eq3A_723, %jit3A_724, %jit3A_721 : i32
        %rem3A_726 = arith.remsi %add3A_675, %select_n3A_725 : i32
        %ne3A_727 = arith.constant 0 : i32
        %ne3A_728 = arith.cmpi ne, %rem3A_726, %ne3A_727 : i32
        %lt3A_729 = arith.constant 0 : i32
        %lt3A_730 = arith.cmpi slt, %rem3A_726, %lt3A_729 : i32
        %lt3A_731 = arith.constant 0 : i32
        %lt3A_732 = arith.cmpi slt, %select_n3A_725, %lt3A_731 : i32
        %ne3A_733 = arith.xori %lt3A_730, %lt3A_732 : i1
        %and3A_734 = arith.andi %ne3A_733, %ne3A_728 : i1
        %add3A_735 = arith.addi %rem3A_726, %select_n3A_725 : i32
        %select_n3A_736 = arith.select %and3A_734, %add3A_735, %rem3A_726 : i32
        %mul3A_737 = arith.constant 2 : i32
        %mul3A_738 = arith.muli %mul3A_737, %select_n3A_736 : i32
        %dma_start3A_739 = arith.constant 0 : i32
        %dma_start3A_740 = tpu.memref_slice %arg2[%mul3A_738, %select_n3A_704, %select_n3A_720, %dma_start3A_739] : memref<32x2x32x4000xf32, #tpu.memory_space<hbm>> -> memref<2x1x1x4000xf32, #tpu.memory_space<hbm>>
        %dma_start3A_741 = tpu.memref_squeeze %dma_start3A_740 : memref<2x1x1x4000xf32, #tpu.memory_space<hbm>> -> memref<2x4000xf32, #tpu.memory_space<hbm>>
        %dma_start3A_742 = arith.constant 0 : i32
        %dma_start3A_743 = tpu.memref_slice %arg2[%mul3A_738, %select_n3A_704, %select_n3A_720, %dma_start3A_742] : memref<32x2x32x4000xf32, #tpu.memory_space<hbm>> -> memref<2x1x1x4000xf32, #tpu.memory_space<hbm>>
        %dma_start3A_744 = tpu.memref_squeeze %dma_start3A_743 : memref<2x1x1x4000xf32, #tpu.memory_space<hbm>> -> memref<2x4000xf32, #tpu.memory_space<hbm>>
        tpu.enqueue_dma source(%dma_start3A_744 : memref<2x4000xf32, #tpu.memory_space<hbm>>) target(%arg7 : memref<2x4000xf32, #tpu.memory_space<vmem>>) target_semaphore(%arg13 : memref<!tpu.dma_semaphore, #tpu.memory_space<semaphore_mem>>)
      } else {
      }
      %ge3A = arith.constant 2 : i32
      %ge3A_330 = arith.cmpi sge, %add3A_257, %ge3A : i32
      %convert_element_type3A_331 = arith.extui %ge3A_330 : i1 to i32
      %cond3A_332 = arith.constant 0 : i32
      %cond3A_333 = arith.cmpi ne, %convert_element_type3A_331, %cond3A_332 : i32
      scf.if %cond3A_333 {
        %sub3A_674 = arith.constant 2 : i32
        %sub3A_675 = arith.subi %add3A_257, %sub3A_674 : i32
        %lt3A_676 = arith.constant 16 : i32
        %lt3A_677 = arith.cmpi slt, %sub3A_675, %lt3A_676 : i32
        %add3A_678 = arith.constant 32 : i32
        %add3A_679 = arith.addi %add3A, %add3A_678 : i32
        %select_n3A_680 = arith.select %lt3A_677, %add3A, %add3A_679 : i32
        %jit3A_681 = arith.constant 32 : i32
        %div3A_682 = arith.divsi %select_n3A_680, %jit3A_681 : i32
        %sign3A_683 = arith.constant 0 : i32
        %sign3A_684 = arith.cmpi sgt, %select_n3A_680, %sign3A_683 : i32
        %sign3A_685 = arith.extui %sign3A_684 : i1 to i32
        %sign3A_686 = arith.constant 0 : i32
        %sign3A_687 = arith.cmpi slt, %select_n3A_680, %sign3A_686 : i32
        %sign3A_688 = arith.extui %sign3A_687 : i1 to i32
        %sign3A_689 = arith.subi %sign3A_685, %sign3A_688 : i32
        %sign3A_690 = arith.constant 0 : i32
        %sign3A_691 = arith.cmpi sgt, %jit3A_681, %sign3A_690 : i32
        %sign3A_692 = arith.extui %sign3A_691 : i1 to i32
        %sign3A_693 = arith.constant 0 : i32
        %sign3A_694 = arith.cmpi slt, %jit3A_681, %sign3A_693 : i32
        %sign3A_695 = arith.extui %sign3A_694 : i1 to i32
        %sign3A_696 = arith.subi %sign3A_692, %sign3A_695 : i32
        %ne3A_697 = arith.cmpi ne, %sign3A_689, %sign3A_696 : i32
        %rem3A_698 = arith.remsi %select_n3A_680, %jit3A_681 : i32
        %ne3A_699 = arith.constant 0 : i32
        %ne3A_700 = arith.cmpi ne, %rem3A_698, %ne3A_699 : i32
        %and3A_701 = arith.andi %ne3A_697, %ne3A_700 : i1
        %sub3A_702 = arith.constant 1 : i32
        %sub3A_703 = arith.subi %div3A_682, %sub3A_702 : i32
        %select_n3A_704 = arith.select %and3A_701, %sub3A_703, %div3A_682 : i32
        %jit3A_705 = arith.constant 32 : i32
        %eq3A_706 = arith.constant 0 : i32
        %eq3A_707 = arith.cmpi eq, %jit3A_705, %eq3A_706 : i32
        %jit3A_708 = arith.constant 1 : i32
        %select_n3A_709 = arith.select %eq3A_707, %jit3A_708, %jit3A_705 : i32
        %rem3A_710 = arith.remsi %select_n3A_680, %select_n3A_709 : i32
        %ne3A_711 = arith.constant 0 : i32
        %ne3A_712 = arith.cmpi ne, %rem3A_710, %ne3A_711 : i32
        %lt3A_713 = arith.constant 0 : i32
        %lt3A_714 = arith.cmpi slt, %rem3A_710, %lt3A_713 : i32
        %lt3A_715 = arith.constant 0 : i32
        %lt3A_716 = arith.cmpi slt, %select_n3A_709, %lt3A_715 : i32
        %ne3A_717 = arith.xori %lt3A_714, %lt3A_716 : i1
        %and3A_718 = arith.andi %ne3A_717, %ne3A_712 : i1
        %add3A_719 = arith.addi %rem3A_710, %select_n3A_709 : i32
        %select_n3A_720 = arith.select %and3A_718, %add3A_719, %rem3A_710 : i32
        %jit3A_721 = arith.constant 16 : i32
        %eq3A_722 = arith.constant 0 : i32
        %eq3A_723 = arith.cmpi eq, %jit3A_721, %eq3A_722 : i32
        %jit3A_724 = arith.constant 1 : i32
        %select_n3A_725 = arith.select %eq3A_723, %jit3A_724, %jit3A_721 : i32
        %rem3A_726 = arith.remsi %sub3A_675, %select_n3A_725 : i32
        %ne3A_727 = arith.constant 0 : i32
        %ne3A_728 = arith.cmpi ne, %rem3A_726, %ne3A_727 : i32
        %lt3A_729 = arith.constant 0 : i32
        %lt3A_730 = arith.cmpi slt, %rem3A_726, %lt3A_729 : i32
        %lt3A_731 = arith.constant 0 : i32
        %lt3A_732 = arith.cmpi slt, %select_n3A_725, %lt3A_731 : i32
        %ne3A_733 = arith.xori %lt3A_730, %lt3A_732 : i1
        %and3A_734 = arith.andi %ne3A_733, %ne3A_728 : i1
        %add3A_735 = arith.addi %rem3A_726, %select_n3A_725 : i32
        %select_n3A_736 = arith.select %and3A_734, %add3A_735, %rem3A_726 : i32
        %mul3A_737 = arith.constant 2 : i32
        %mul3A_738 = arith.muli %mul3A_737, %select_n3A_736 : i32
        %jit3A_739 = arith.constant 8 : i32
        %div3A_740 = arith.divsi %mul3A_738, %jit3A_739 : i32
        %sign3A_741 = arith.constant 0 : i32
        %sign3A_742 = arith.cmpi sgt, %mul3A_738, %sign3A_741 : i32
        %sign3A_743 = arith.extui %sign3A_742 : i1 to i32
        %sign3A_744 = arith.constant 0 : i32
        %sign3A_745 = arith.cmpi slt, %mul3A_738, %sign3A_744 : i32
        %sign3A_746 = arith.extui %sign3A_745 : i1 to i32
        %sign3A_747 = arith.subi %sign3A_743, %sign3A_746 : i32
        %sign3A_748 = arith.constant 0 : i32
        %sign3A_749 = arith.cmpi sgt, %jit3A_739, %sign3A_748 : i32
        %sign3A_750 = arith.extui %sign3A_749 : i1 to i32
        %sign3A_751 = arith.constant 0 : i32
        %sign3A_752 = arith.cmpi slt, %jit3A_739, %sign3A_751 : i32
        %sign3A_753 = arith.extui %sign3A_752 : i1 to i32
        %sign3A_754 = arith.subi %sign3A_750, %sign3A_753 : i32
        %ne3A_755 = arith.cmpi ne, %sign3A_747, %sign3A_754 : i32
        %rem3A_756 = arith.remsi %mul3A_738, %jit3A_739 : i32
        %ne3A_757 = arith.constant 0 : i32
        %ne3A_758 = arith.cmpi ne, %rem3A_756, %ne3A_757 : i32
        %and3A_759 = arith.andi %ne3A_755, %ne3A_758 : i1
        %sub3A_760 = arith.constant 1 : i32
        %sub3A_761 = arith.subi %div3A_740, %sub3A_760 : i32
        %select_n3A_762 = arith.select %and3A_759, %sub3A_761, %div3A_740 : i32
        %jit3A_763 = arith.constant 8 : i32
        %eq3A_764 = arith.constant 0 : i32
        %eq3A_765 = arith.cmpi eq, %jit3A_763, %eq3A_764 : i32
        %jit3A_766 = arith.constant 1 : i32
        %select_n3A_767 = arith.select %eq3A_765, %jit3A_766, %jit3A_763 : i32
        %rem3A_768 = arith.remsi %mul3A_738, %select_n3A_767 : i32
        %ne3A_769 = arith.constant 0 : i32
        %ne3A_770 = arith.cmpi ne, %rem3A_768, %ne3A_769 : i32
        %lt3A_771 = arith.constant 0 : i32
        %lt3A_772 = arith.cmpi slt, %rem3A_768, %lt3A_771 : i32
        %lt3A_773 = arith.constant 0 : i32
        %lt3A_774 = arith.cmpi slt, %select_n3A_767, %lt3A_773 : i32
        %ne3A_775 = arith.xori %lt3A_772, %lt3A_774 : i1
        %and3A_776 = arith.andi %ne3A_775, %ne3A_770 : i1
        %add3A_777 = arith.addi %rem3A_768, %select_n3A_767 : i32
        %select_n3A_778 = arith.select %and3A_776, %add3A_777, %rem3A_768 : i32
        %mul3A_779 = arith.constant 16 : i32
        %mul3A_780 = arith.muli %select_n3A_778, %mul3A_779 : i32
        %dma_wait3A_781 = arith.constant 0 : i32
        %dma_wait3A_782 = arith.constant 0 : i32
        %dma_wait3A_783 = tpu.memref_slice %arg4[%select_n3A_704, %select_n3A_720, %dma_wait3A_781, %select_n3A_762, %dma_wait3A_782, %mul3A_780] : memref<2x32x125x4x8x128xf32, #tpu.memory_space<hbm>> -> memref<1x1x125x1x8x32xf32, #tpu.memory_space<hbm>>
        %dma_wait3A_784 = tpu.memref_squeeze %dma_wait3A_783 : memref<1x1x125x1x8x32xf32, #tpu.memory_space<hbm>> -> memref<125x8x32xf32, #tpu.memory_space<hbm>>
        %dma_wait3A_785 = arith.constant 0 : i32
        %dma_wait3A_786 = arith.constant 0 : i32
        %dma_wait3A_787 = tpu.memref_slice %arg4[%select_n3A_704, %select_n3A_720, %dma_wait3A_785, %select_n3A_762, %dma_wait3A_786, %mul3A_780] : memref<2x32x125x4x8x128xf32, #tpu.memory_space<hbm>> -> memref<1x1x125x1x8x32xf32, #tpu.memory_space<hbm>>
        %dma_wait3A_788 = tpu.memref_squeeze %dma_wait3A_787 : memref<1x1x125x1x8x32xf32, #tpu.memory_space<hbm>> -> memref<125x8x32xf32, #tpu.memory_space<hbm>>
        tpu.wait_dma2 semaphore(%arg14 : memref<!tpu.dma_semaphore, #tpu.memory_space<semaphore_mem>>) src(%arg8 : memref<125x8x32xf32, #tpu.memory_space<vmem>>) dst(%dma_wait3A_788 : memref<125x8x32xf32, #tpu.memory_space<hbm>>)
      } else {
      }
      %broadcast_in_dim3A_334 = arith.constant 0 : i32
      %broadcast_in_dim3A_335 = vector.broadcast %broadcast_in_dim3A_334 : i32 to vector<16xi32>
      %add3A_336 = arith.constant 0 : i32
      %add3A_337 = vector.broadcast %add3A_336 : i32 to vector<16xi32>
      %add3A_338 = arith.addi %broadcast_in_dim3A_335, %add3A_337 : vector<16xi32>
      %parallel_loop3A = arith.constant 0 : i32
      %parallel_loop3A_339 = arith.constant 125 : i32
      %parallel_loop3A_340 = arith.constant 1 : i32
      scf.for %parallel_loop3A_674 = %parallel_loop3A to %parallel_loop3A_339 step %parallel_loop3A_340  : i32 {
        %parallel_loop3A_675 = arith.constant 8 : i32
        %parallel_loop3A_676 = arith.muli %parallel_loop3A_674, %parallel_loop3A_675 : i32
        %parallel_loop3A_677 = arith.constant 0 : i32
        %parallel_loop3A_678 = arith.addi %parallel_loop3A_676, %parallel_loop3A_677 : i32
        %parallel_loop3A_679 = vector.broadcast %parallel_loop3A_678 : i32 to vector<16xi32>
        %parallel_loop3A_680 = arith.addi %mul3A_65, %parallel_loop3A_679 : vector<16xi32>
        %parallel_loop3A_681 = tpu.vector_load_idx %arg6[%add3A_338, %parallel_loop3A_680] : memref<2x4000xf32, #tpu.memory_space<vmem>>[vector<16xi32>, vector<16xi32>], vector<16xf32>,
        %parallel_loop3A_682 = arith.constant 1 : i32
        %parallel_loop3A_683 = arith.addi %parallel_loop3A_676, %parallel_loop3A_682 : i32
        %parallel_loop3A_684 = vector.broadcast %parallel_loop3A_683 : i32 to vector<16xi32>
        %parallel_loop3A_685 = arith.addi %mul3A_65, %parallel_loop3A_684 : vector<16xi32>
        %parallel_loop3A_686 = tpu.vector_load_idx %arg6[%add3A_338, %parallel_loop3A_685] : memref<2x4000xf32, #tpu.memory_space<vmem>>[vector<16xi32>, vector<16xi32>], vector<16xf32>,
        %parallel_loop3A_687 = arith.constant 2 : i32
        %parallel_loop3A_688 = arith.addi %parallel_loop3A_676, %parallel_loop3A_687 : i32
        %parallel_loop3A_689 = vector.broadcast %parallel_loop3A_688 : i32 to vector<16xi32>
        %parallel_loop3A_690 = arith.addi %mul3A_65, %parallel_loop3A_689 : vector<16xi32>
        %parallel_loop3A_691 = tpu.vector_load_idx %arg6[%add3A_338, %parallel_loop3A_690] : memref<2x4000xf32, #tpu.memory_space<vmem>>[vector<16xi32>, vector<16xi32>], vector<16xf32>,
        %parallel_loop3A_692 = arith.constant 3 : i32
        %parallel_loop3A_693 = arith.addi %parallel_loop3A_676, %parallel_loop3A_692 : i32
        %parallel_loop3A_694 = vector.broadcast %parallel_loop3A_693 : i32 to vector<16xi32>
        %parallel_loop3A_695 = arith.addi %mul3A_65, %parallel_loop3A_694 : vector<16xi32>
        %parallel_loop3A_696 = tpu.vector_load_idx %arg6[%add3A_338, %parallel_loop3A_695] : memref<2x4000xf32, #tpu.memory_space<vmem>>[vector<16xi32>, vector<16xi32>], vector<16xf32>,
        %parallel_loop3A_697 = arith.constant 4 : i32
        %parallel_loop3A_698 = arith.addi %parallel_loop3A_676, %parallel_loop3A_697 : i32
        %parallel_loop3A_699 = vector.broadcast %parallel_loop3A_698 : i32 to vector<16xi32>
        %parallel_loop3A_700 = arith.addi %mul3A_65, %parallel_loop3A_699 : vector<16xi32>
        %parallel_loop3A_701 = tpu.vector_load_idx %arg6[%add3A_338, %parallel_loop3A_700] : memref<2x4000xf32, #tpu.memory_space<vmem>>[vector<16xi32>, vector<16xi32>], vector<16xf32>,
        %parallel_loop3A_702 = arith.constant 5 : i32
        %parallel_loop3A_703 = arith.addi %parallel_loop3A_676, %parallel_loop3A_702 : i32
        %parallel_loop3A_704 = vector.broadcast %parallel_loop3A_703 : i32 to vector<16xi32>
        %parallel_loop3A_705 = arith.addi %mul3A_65, %parallel_loop3A_704 : vector<16xi32>
        %parallel_loop3A_706 = tpu.vector_load_idx %arg6[%add3A_338, %parallel_loop3A_705] : memref<2x4000xf32, #tpu.memory_space<vmem>>[vector<16xi32>, vector<16xi32>], vector<16xf32>,
        %parallel_loop3A_707 = arith.constant 6 : i32
        %parallel_loop3A_708 = arith.addi %parallel_loop3A_676, %parallel_loop3A_707 : i32
        %parallel_loop3A_709 = vector.broadcast %parallel_loop3A_708 : i32 to vector<16xi32>
        %parallel_loop3A_710 = arith.addi %mul3A_65, %parallel_loop3A_709 : vector<16xi32>
        %parallel_loop3A_711 = tpu.vector_load_idx %arg6[%add3A_338, %parallel_loop3A_710] : memref<2x4000xf32, #tpu.memory_space<vmem>>[vector<16xi32>, vector<16xi32>], vector<16xf32>,
        %parallel_loop3A_712 = arith.constant 7 : i32
        %parallel_loop3A_713 = arith.addi %parallel_loop3A_676, %parallel_loop3A_712 : i32
        %parallel_loop3A_714 = vector.broadcast %parallel_loop3A_713 : i32 to vector<16xi32>
        %parallel_loop3A_715 = arith.addi %mul3A_65, %parallel_loop3A_714 : vector<16xi32>
        %parallel_loop3A_716 = tpu.vector_load_idx %arg6[%add3A_338, %parallel_loop3A_715] : memref<2x4000xf32, #tpu.memory_space<vmem>>[vector<16xi32>, vector<16xi32>], vector<16xf32>,
        %parallel_loop3A_717 = arith.constant 0 : i32
        %parallel_loop3A_718 = arith.index_cast %parallel_loop3A_674 : i32 to index
        %parallel_loop3A_719 = arith.index_cast %parallel_loop3A_717 : i32 to index
        %parallel_loop3A_720 = arith.constant 0 : index
        %parallel_loop3A_721 = tpu.vector_load %arg8[%parallel_loop3A_718, %parallel_loop3A_719, %parallel_loop3A_720] {strides = array<i32>} : memref<125x8x32xf32, #tpu.memory_space<vmem>>, vector<16xf32>,
        tpu.vector_store %arg8[%parallel_loop3A_718, %parallel_loop3A_719, %parallel_loop3A_720], %parallel_loop3A_681 {strides = array<i32>} : memref<125x8x32xf32, #tpu.memory_space<vmem>>, vector<16xf32>,
        %parallel_loop3A_722 = arith.constant 1 : i32
        %parallel_loop3A_723 = arith.index_cast %parallel_loop3A_674 : i32 to index
        %parallel_loop3A_724 = arith.index_cast %parallel_loop3A_722 : i32 to index
        %parallel_loop3A_725 = arith.constant 0 : index
        %parallel_loop3A_726 = tpu.vector_load %arg8[%parallel_loop3A_723, %parallel_loop3A_724, %parallel_loop3A_725] {strides = array<i32>} : memref<125x8x32xf32, #tpu.memory_space<vmem>>, vector<16xf32>,
        tpu.vector_store %arg8[%parallel_loop3A_723, %parallel_loop3A_724, %parallel_loop3A_725], %parallel_loop3A_686 {strides = array<i32>} : memref<125x8x32xf32, #tpu.memory_space<vmem>>, vector<16xf32>,
        %parallel_loop3A_727 = arith.constant 2 : i32
        %parallel_loop3A_728 = arith.index_cast %parallel_loop3A_674 : i32 to index
        %parallel_loop3A_729 = arith.index_cast %parallel_loop3A_727 : i32 to index
        %parallel_loop3A_730 = arith.constant 0 : index
        %parallel_loop3A_731 = tpu.vector_load %arg8[%parallel_loop3A_728, %parallel_loop3A_729, %parallel_loop3A_730] {strides = array<i32>} : memref<125x8x32xf32, #tpu.memory_space<vmem>>, vector<16xf32>,
        tpu.vector_store %arg8[%parallel_loop3A_728, %parallel_loop3A_729, %parallel_loop3A_730], %parallel_loop3A_691 {strides = array<i32>} : memref<125x8x32xf32, #tpu.memory_space<vmem>>, vector<16xf32>,
        %parallel_loop3A_732 = arith.constant 3 : i32
        %parallel_loop3A_733 = arith.index_cast %parallel_loop3A_674 : i32 to index
        %parallel_loop3A_734 = arith.index_cast %parallel_loop3A_732 : i32 to index
        %parallel_loop3A_735 = arith.constant 0 : index
        %parallel_loop3A_736 = tpu.vector_load %arg8[%parallel_loop3A_733, %parallel_loop3A_734, %parallel_loop3A_735] {strides = array<i32>} : memref<125x8x32xf32, #tpu.memory_space<vmem>>, vector<16xf32>,
        tpu.vector_store %arg8[%parallel_loop3A_733, %parallel_loop3A_734, %parallel_loop3A_735], %parallel_loop3A_696 {strides = array<i32>} : memref<125x8x32xf32, #tpu.memory_space<vmem>>, vector<16xf32>,
        %parallel_loop3A_737 = arith.constant 4 : i32
        %parallel_loop3A_738 = arith.index_cast %parallel_loop3A_674 : i32 to index
        %parallel_loop3A_739 = arith.index_cast %parallel_loop3A_737 : i32 to index
        %parallel_loop3A_740 = arith.constant 0 : index
        %parallel_loop3A_741 = tpu.vector_load %arg8[%parallel_loop3A_738, %parallel_loop3A_739, %parallel_loop3A_740] {strides = array<i32>} : memref<125x8x32xf32, #tpu.memory_space<vmem>>, vector<16xf32>,
        tpu.vector_store %arg8[%parallel_loop3A_738, %parallel_loop3A_739, %parallel_loop3A_740], %parallel_loop3A_701 {strides = array<i32>} : memref<125x8x32xf32, #tpu.memory_space<vmem>>, vector<16xf32>,
        %parallel_loop3A_742 = arith.constant 5 : i32
        %parallel_loop3A_743 = arith.index_cast %parallel_loop3A_674 : i32 to index
        %parallel_loop3A_744 = arith.index_cast %parallel_loop3A_742 : i32 to index
        %parallel_loop3A_745 = arith.constant 0 : index
        %parallel_loop3A_746 = tpu.vector_load %arg8[%parallel_loop3A_743, %parallel_loop3A_744, %parallel_loop3A_745] {strides = array<i32>} : memref<125x8x32xf32, #tpu.memory_space<vmem>>, vector<16xf32>,
        tpu.vector_store %arg8[%parallel_loop3A_743, %parallel_loop3A_744, %parallel_loop3A_745], %parallel_loop3A_706 {strides = array<i32>} : memref<125x8x32xf32, #tpu.memory_space<vmem>>, vector<16xf32>,
        %parallel_loop3A_747 = arith.constant 6 : i32
        %parallel_loop3A_748 = arith.index_cast %parallel_loop3A_674 : i32 to index
        %parallel_loop3A_749 = arith.index_cast %parallel_loop3A_747 : i32 to index
        %parallel_loop3A_750 = arith.constant 0 : index
        %parallel_loop3A_751 = tpu.vector_load %arg8[%parallel_loop3A_748, %parallel_loop3A_749, %parallel_loop3A_750] {strides = array<i32>} : memref<125x8x32xf32, #tpu.memory_space<vmem>>, vector<16xf32>,
        tpu.vector_store %arg8[%parallel_loop3A_748, %parallel_loop3A_749, %parallel_loop3A_750], %parallel_loop3A_711 {strides = array<i32>} : memref<125x8x32xf32, #tpu.memory_space<vmem>>, vector<16xf32>,
        %parallel_loop3A_752 = arith.constant 7 : i32
        %parallel_loop3A_753 = arith.index_cast %parallel_loop3A_674 : i32 to index
        %parallel_loop3A_754 = arith.index_cast %parallel_loop3A_752 : i32 to index
        %parallel_loop3A_755 = arith.constant 0 : index
        %parallel_loop3A_756 = tpu.vector_load %arg8[%parallel_loop3A_753, %parallel_loop3A_754, %parallel_loop3A_755] {strides = array<i32>} : memref<125x8x32xf32, #tpu.memory_space<vmem>>, vector<16xf32>,
        tpu.vector_store %arg8[%parallel_loop3A_753, %parallel_loop3A_754, %parallel_loop3A_755], %parallel_loop3A_716 {strides = array<i32>} : memref<125x8x32xf32, #tpu.memory_space<vmem>>, vector<16xf32>,
      } {sc.loop_unroll_factor = 4 : i64, sc.parallel_access}
      %broadcast_in_dim3A_341 = arith.constant 0 : i32
      %broadcast_in_dim3A_342 = vector.broadcast %broadcast_in_dim3A_341 : i32 to vector<16xi32>
      %add3A_343 = arith.constant 1 : i32
      %add3A_344 = vector.broadcast %add3A_343 : i32 to vector<16xi32>
      %add3A_345 = arith.addi %broadcast_in_dim3A_342, %add3A_344 : vector<16xi32>
      %parallel_loop3A_346 = arith.constant 0 : i32
      %parallel_loop3A_347 = arith.constant 125 : i32
      %parallel_loop3A_348 = arith.constant 1 : i32
      scf.for %parallel_loop3A_674 = %parallel_loop3A_346 to %parallel_loop3A_347 step %parallel_loop3A_348  : i32 {
        %parallel_loop3A_675 = arith.constant 8 : i32
        %parallel_loop3A_676 = arith.muli %parallel_loop3A_674, %parallel_loop3A_675 : i32
        %parallel_loop3A_677 = arith.constant 0 : i32
        %parallel_loop3A_678 = arith.addi %parallel_loop3A_676, %parallel_loop3A_677 : i32
        %parallel_loop3A_679 = vector.broadcast %parallel_loop3A_678 : i32 to vector<16xi32>
        %parallel_loop3A_680 = arith.addi %mul3A_65, %parallel_loop3A_679 : vector<16xi32>
        %parallel_loop3A_681 = tpu.vector_load_idx %arg6[%add3A_345, %parallel_loop3A_680] : memref<2x4000xf32, #tpu.memory_space<vmem>>[vector<16xi32>, vector<16xi32>], vector<16xf32>,
        %parallel_loop3A_682 = arith.constant 1 : i32
        %parallel_loop3A_683 = arith.addi %parallel_loop3A_676, %parallel_loop3A_682 : i32
        %parallel_loop3A_684 = vector.broadcast %parallel_loop3A_683 : i32 to vector<16xi32>
        %parallel_loop3A_685 = arith.addi %mul3A_65, %parallel_loop3A_684 : vector<16xi32>
        %parallel_loop3A_686 = tpu.vector_load_idx %arg6[%add3A_345, %parallel_loop3A_685] : memref<2x4000xf32, #tpu.memory_space<vmem>>[vector<16xi32>, vector<16xi32>], vector<16xf32>,
        %parallel_loop3A_687 = arith.constant 2 : i32
        %parallel_loop3A_688 = arith.addi %parallel_loop3A_676, %parallel_loop3A_687 : i32
        %parallel_loop3A_689 = vector.broadcast %parallel_loop3A_688 : i32 to vector<16xi32>
        %parallel_loop3A_690 = arith.addi %mul3A_65, %parallel_loop3A_689 : vector<16xi32>
        %parallel_loop3A_691 = tpu.vector_load_idx %arg6[%add3A_345, %parallel_loop3A_690] : memref<2x4000xf32, #tpu.memory_space<vmem>>[vector<16xi32>, vector<16xi32>], vector<16xf32>,
        %parallel_loop3A_692 = arith.constant 3 : i32
        %parallel_loop3A_693 = arith.addi %parallel_loop3A_676, %parallel_loop3A_692 : i32
        %parallel_loop3A_694 = vector.broadcast %parallel_loop3A_693 : i32 to vector<16xi32>
        %parallel_loop3A_695 = arith.addi %mul3A_65, %parallel_loop3A_694 : vector<16xi32>
        %parallel_loop3A_696 = tpu.vector_load_idx %arg6[%add3A_345, %parallel_loop3A_695] : memref<2x4000xf32, #tpu.memory_space<vmem>>[vector<16xi32>, vector<16xi32>], vector<16xf32>,
        %parallel_loop3A_697 = arith.constant 4 : i32
        %parallel_loop3A_698 = arith.addi %parallel_loop3A_676, %parallel_loop3A_697 : i32
        %parallel_loop3A_699 = vector.broadcast %parallel_loop3A_698 : i32 to vector<16xi32>
        %parallel_loop3A_700 = arith.addi %mul3A_65, %parallel_loop3A_699 : vector<16xi32>
        %parallel_loop3A_701 = tpu.vector_load_idx %arg6[%add3A_345, %parallel_loop3A_700] : memref<2x4000xf32, #tpu.memory_space<vmem>>[vector<16xi32>, vector<16xi32>], vector<16xf32>,
        %parallel_loop3A_702 = arith.constant 5 : i32
        %parallel_loop3A_703 = arith.addi %parallel_loop3A_676, %parallel_loop3A_702 : i32
        %parallel_loop3A_704 = vector.broadcast %parallel_loop3A_703 : i32 to vector<16xi32>
        %parallel_loop3A_705 = arith.addi %mul3A_65, %parallel_loop3A_704 : vector<16xi32>
        %parallel_loop3A_706 = tpu.vector_load_idx %arg6[%add3A_345, %parallel_loop3A_705] : memref<2x4000xf32, #tpu.memory_space<vmem>>[vector<16xi32>, vector<16xi32>], vector<16xf32>,
        %parallel_loop3A_707 = arith.constant 6 : i32
        %parallel_loop3A_708 = arith.addi %parallel_loop3A_676, %parallel_loop3A_707 : i32
        %parallel_loop3A_709 = vector.broadcast %parallel_loop3A_708 : i32 to vector<16xi32>
        %parallel_loop3A_710 = arith.addi %mul3A_65, %parallel_loop3A_709 : vector<16xi32>
        %parallel_loop3A_711 = tpu.vector_load_idx %arg6[%add3A_345, %parallel_loop3A_710] : memref<2x4000xf32, #tpu.memory_space<vmem>>[vector<16xi32>, vector<16xi32>], vector<16xf32>,
        %parallel_loop3A_712 = arith.constant 7 : i32
        %parallel_loop3A_713 = arith.addi %parallel_loop3A_676, %parallel_loop3A_712 : i32
        %parallel_loop3A_714 = vector.broadcast %parallel_loop3A_713 : i32 to vector<16xi32>
        %parallel_loop3A_715 = arith.addi %mul3A_65, %parallel_loop3A_714 : vector<16xi32>
        %parallel_loop3A_716 = tpu.vector_load_idx %arg6[%add3A_345, %parallel_loop3A_715] : memref<2x4000xf32, #tpu.memory_space<vmem>>[vector<16xi32>, vector<16xi32>], vector<16xf32>,
        %parallel_loop3A_717 = arith.constant 0 : i32
        %parallel_loop3A_718 = arith.index_cast %parallel_loop3A_674 : i32 to index
        %parallel_loop3A_719 = arith.index_cast %parallel_loop3A_717 : i32 to index
        %parallel_loop3A_720 = arith.constant 16 : index
        %parallel_loop3A_721 = tpu.vector_load %arg8[%parallel_loop3A_718, %parallel_loop3A_719, %parallel_loop3A_720] {strides = array<i32>} : memref<125x8x32xf32, #tpu.memory_space<vmem>>, vector<16xf32>,
        tpu.vector_store %arg8[%parallel_loop3A_718, %parallel_loop3A_719, %parallel_loop3A_720], %parallel_loop3A_681 {strides = array<i32>} : memref<125x8x32xf32, #tpu.memory_space<vmem>>, vector<16xf32>,
        %parallel_loop3A_722 = arith.constant 1 : i32
        %parallel_loop3A_723 = arith.index_cast %parallel_loop3A_674 : i32 to index
        %parallel_loop3A_724 = arith.index_cast %parallel_loop3A_722 : i32 to index
        %parallel_loop3A_725 = arith.constant 16 : index
        %parallel_loop3A_726 = tpu.vector_load %arg8[%parallel_loop3A_723, %parallel_loop3A_724, %parallel_loop3A_725] {strides = array<i32>} : memref<125x8x32xf32, #tpu.memory_space<vmem>>, vector<16xf32>,
        tpu.vector_store %arg8[%parallel_loop3A_723, %parallel_loop3A_724, %parallel_loop3A_725], %parallel_loop3A_686 {strides = array<i32>} : memref<125x8x32xf32, #tpu.memory_space<vmem>>, vector<16xf32>,
        %parallel_loop3A_727 = arith.constant 2 : i32
        %parallel_loop3A_728 = arith.index_cast %parallel_loop3A_674 : i32 to index
        %parallel_loop3A_729 = arith.index_cast %parallel_loop3A_727 : i32 to index
        %parallel_loop3A_730 = arith.constant 16 : index
        %parallel_loop3A_731 = tpu.vector_load %arg8[%parallel_loop3A_728, %parallel_loop3A_729, %parallel_loop3A_730] {strides = array<i32>} : memref<125x8x32xf32, #tpu.memory_space<vmem>>, vector<16xf32>,
        tpu.vector_store %arg8[%parallel_loop3A_728, %parallel_loop3A_729, %parallel_loop3A_730], %parallel_loop3A_691 {strides = array<i32>} : memref<125x8x32xf32, #tpu.memory_space<vmem>>, vector<16xf32>,
        %parallel_loop3A_732 = arith.constant 3 : i32
        %parallel_loop3A_733 = arith.index_cast %parallel_loop3A_674 : i32 to index
        %parallel_loop3A_734 = arith.index_cast %parallel_loop3A_732 : i32 to index
        %parallel_loop3A_735 = arith.constant 16 : index
        %parallel_loop3A_736 = tpu.vector_load %arg8[%parallel_loop3A_733, %parallel_loop3A_734, %parallel_loop3A_735] {strides = array<i32>} : memref<125x8x32xf32, #tpu.memory_space<vmem>>, vector<16xf32>,
        tpu.vector_store %arg8[%parallel_loop3A_733, %parallel_loop3A_734, %parallel_loop3A_735], %parallel_loop3A_696 {strides = array<i32>} : memref<125x8x32xf32, #tpu.memory_space<vmem>>, vector<16xf32>,
        %parallel_loop3A_737 = arith.constant 4 : i32
        %parallel_loop3A_738 = arith.index_cast %parallel_loop3A_674 : i32 to index
        %parallel_loop3A_739 = arith.index_cast %parallel_loop3A_737 : i32 to index
        %parallel_loop3A_740 = arith.constant 16 : index
        %parallel_loop3A_741 = tpu.vector_load %arg8[%parallel_loop3A_738, %parallel_loop3A_739, %parallel_loop3A_740] {strides = array<i32>} : memref<125x8x32xf32, #tpu.memory_space<vmem>>, vector<16xf32>,
        tpu.vector_store %arg8[%parallel_loop3A_738, %parallel_loop3A_739, %parallel_loop3A_740], %parallel_loop3A_701 {strides = array<i32>} : memref<125x8x32xf32, #tpu.memory_space<vmem>>, vector<16xf32>,
        %parallel_loop3A_742 = arith.constant 5 : i32
        %parallel_loop3A_743 = arith.index_cast %parallel_loop3A_674 : i32 to index
        %parallel_loop3A_744 = arith.index_cast %parallel_loop3A_742 : i32 to index
        %parallel_loop3A_745 = arith.constant 16 : index
        %parallel_loop3A_746 = tpu.vector_load %arg8[%parallel_loop3A_743, %parallel_loop3A_744, %parallel_loop3A_745] {strides = array<i32>} : memref<125x8x32xf32, #tpu.memory_space<vmem>>, vector<16xf32>,
        tpu.vector_store %arg8[%parallel_loop3A_743, %parallel_loop3A_744, %parallel_loop3A_745], %parallel_loop3A_706 {strides = array<i32>} : memref<125x8x32xf32, #tpu.memory_space<vmem>>, vector<16xf32>,
        %parallel_loop3A_747 = arith.constant 6 : i32
        %parallel_loop3A_748 = arith.index_cast %parallel_loop3A_674 : i32 to index
        %parallel_loop3A_749 = arith.index_cast %parallel_loop3A_747 : i32 to index
        %parallel_loop3A_750 = arith.constant 16 : index
        %parallel_loop3A_751 = tpu.vector_load %arg8[%parallel_loop3A_748, %parallel_loop3A_749, %parallel_loop3A_750] {strides = array<i32>} : memref<125x8x32xf32, #tpu.memory_space<vmem>>, vector<16xf32>,
        tpu.vector_store %arg8[%parallel_loop3A_748, %parallel_loop3A_749, %parallel_loop3A_750], %parallel_loop3A_711 {strides = array<i32>} : memref<125x8x32xf32, #tpu.memory_space<vmem>>, vector<16xf32>,
        %parallel_loop3A_752 = arith.constant 7 : i32
        %parallel_loop3A_753 = arith.index_cast %parallel_loop3A_674 : i32 to index
        %parallel_loop3A_754 = arith.index_cast %parallel_loop3A_752 : i32 to index
        %parallel_loop3A_755 = arith.constant 16 : index
        %parallel_loop3A_756 = tpu.vector_load %arg8[%parallel_loop3A_753, %parallel_loop3A_754, %parallel_loop3A_755] {strides = array<i32>} : memref<125x8x32xf32, #tpu.memory_space<vmem>>, vector<16xf32>,
        tpu.vector_store %arg8[%parallel_loop3A_753, %parallel_loop3A_754, %parallel_loop3A_755], %parallel_loop3A_716 {strides = array<i32>} : memref<125x8x32xf32, #tpu.memory_space<vmem>>, vector<16xf32>,
      } {sc.loop_unroll_factor = 4 : i64, sc.parallel_access}
      %lt3A_349 = arith.constant 16 : i32
      %lt3A_350 = arith.cmpi slt, %add3A_257, %lt3A_349 : i32
      %add3A_351 = arith.constant 32 : i32
      %add3A_352 = arith.addi %add3A, %add3A_351 : i32
      %select_n3A_353 = arith.select %lt3A_350, %add3A, %add3A_352 : i32
      %jit3A_354 = arith.constant 32 : i32
      %div3A_355 = arith.divsi %select_n3A_353, %jit3A_354 : i32
      %sign3A_356 = arith.constant 0 : i32
      %sign3A_357 = arith.cmpi sgt, %select_n3A_353, %sign3A_356 : i32
      %sign3A_358 = arith.extui %sign3A_357 : i1 to i32
      %sign3A_359 = arith.constant 0 : i32
      %sign3A_360 = arith.cmpi slt, %select_n3A_353, %sign3A_359 : i32
      %sign3A_361 = arith.extui %sign3A_360 : i1 to i32
      %sign3A_362 = arith.subi %sign3A_358, %sign3A_361 : i32
      %sign3A_363 = arith.constant 0 : i32
      %sign3A_364 = arith.cmpi sgt, %jit3A_354, %sign3A_363 : i32
      %sign3A_365 = arith.extui %sign3A_364 : i1 to i32
      %sign3A_366 = arith.constant 0 : i32
      %sign3A_367 = arith.cmpi slt, %jit3A_354, %sign3A_366 : i32
      %sign3A_368 = arith.extui %sign3A_367 : i1 to i32
      %sign3A_369 = arith.subi %sign3A_365, %sign3A_368 : i32
      %ne3A_370 = arith.cmpi ne, %sign3A_362, %sign3A_369 : i32
      %rem3A_371 = arith.remsi %select_n3A_353, %jit3A_354 : i32
      %ne3A_372 = arith.constant 0 : i32
      %ne3A_373 = arith.cmpi ne, %rem3A_371, %ne3A_372 : i32
      %and3A_374 = arith.andi %ne3A_370, %ne3A_373 : i1
      %sub3A_375 = arith.constant 1 : i32
      %sub3A_376 = arith.subi %div3A_355, %sub3A_375 : i32
      %select_n3A_377 = arith.select %and3A_374, %sub3A_376, %div3A_355 : i32
      %jit3A_378 = arith.constant 32 : i32
      %eq3A_379 = arith.constant 0 : i32
      %eq3A_380 = arith.cmpi eq, %jit3A_378, %eq3A_379 : i32
      %jit3A_381 = arith.constant 1 : i32
      %select_n3A_382 = arith.select %eq3A_380, %jit3A_381, %jit3A_378 : i32
      %rem3A_383 = arith.remsi %select_n3A_353, %select_n3A_382 : i32
      %ne3A_384 = arith.constant 0 : i32
      %ne3A_385 = arith.cmpi ne, %rem3A_383, %ne3A_384 : i32
      %lt3A_386 = arith.constant 0 : i32
      %lt3A_387 = arith.cmpi slt, %rem3A_383, %lt3A_386 : i32
      %lt3A_388 = arith.constant 0 : i32
      %lt3A_389 = arith.cmpi slt, %select_n3A_382, %lt3A_388 : i32
      %ne3A_390 = arith.xori %lt3A_387, %lt3A_389 : i1
      %and3A_391 = arith.andi %ne3A_390, %ne3A_385 : i1
      %add3A_392 = arith.addi %rem3A_383, %select_n3A_382 : i32
      %select_n3A_393 = arith.select %and3A_391, %add3A_392, %rem3A_383 : i32
      %jit3A_394 = arith.constant 16 : i32
      %eq3A_395 = arith.constant 0 : i32
      %eq3A_396 = arith.cmpi eq, %jit3A_394, %eq3A_395 : i32
      %jit3A_397 = arith.constant 1 : i32
      %select_n3A_398 = arith.select %eq3A_396, %jit3A_397, %jit3A_394 : i32
      %rem3A_399 = arith.remsi %add3A_257, %select_n3A_398 : i32
      %ne3A_400 = arith.constant 0 : i32
      %ne3A_401 = arith.cmpi ne, %rem3A_399, %ne3A_400 : i32
      %lt3A_402 = arith.constant 0 : i32
      %lt3A_403 = arith.cmpi slt, %rem3A_399, %lt3A_402 : i32
      %lt3A_404 = arith.constant 0 : i32
      %lt3A_405 = arith.cmpi slt, %select_n3A_398, %lt3A_404 : i32
      %ne3A_406 = arith.xori %lt3A_403, %lt3A_405 : i1
      %and3A_407 = arith.andi %ne3A_406, %ne3A_401 : i1
      %add3A_408 = arith.addi %rem3A_399, %select_n3A_398 : i32
      %select_n3A_409 = arith.select %and3A_407, %add3A_408, %rem3A_399 : i32
      %mul3A_410 = arith.constant 2 : i32
      %mul3A_411 = arith.muli %mul3A_410, %select_n3A_409 : i32
      %jit3A_412 = arith.constant 8 : i32
      %div3A_413 = arith.divsi %mul3A_411, %jit3A_412 : i32
      %sign3A_414 = arith.constant 0 : i32
      %sign3A_415 = arith.cmpi sgt, %mul3A_411, %sign3A_414 : i32
      %sign3A_416 = arith.extui %sign3A_415 : i1 to i32
      %sign3A_417 = arith.constant 0 : i32
      %sign3A_418 = arith.cmpi slt, %mul3A_411, %sign3A_417 : i32
      %sign3A_419 = arith.extui %sign3A_418 : i1 to i32
      %sign3A_420 = arith.subi %sign3A_416, %sign3A_419 : i32
      %sign3A_421 = arith.constant 0 : i32
      %sign3A_422 = arith.cmpi sgt, %jit3A_412, %sign3A_421 : i32
      %sign3A_423 = arith.extui %sign3A_422 : i1 to i32
      %sign3A_424 = arith.constant 0 : i32
      %sign3A_425 = arith.cmpi slt, %jit3A_412, %sign3A_424 : i32
      %sign3A_426 = arith.extui %sign3A_425 : i1 to i32
      %sign3A_427 = arith.subi %sign3A_423, %sign3A_426 : i32
      %ne3A_428 = arith.cmpi ne, %sign3A_420, %sign3A_427 : i32
      %rem3A_429 = arith.remsi %mul3A_411, %jit3A_412 : i32
      %ne3A_430 = arith.constant 0 : i32
      %ne3A_431 = arith.cmpi ne, %rem3A_429, %ne3A_430 : i32
      %and3A_432 = arith.andi %ne3A_428, %ne3A_431 : i1
      %sub3A_433 = arith.constant 1 : i32
      %sub3A_434 = arith.subi %div3A_413, %sub3A_433 : i32
      %select_n3A_435 = arith.select %and3A_432, %sub3A_434, %div3A_413 : i32
      %jit3A_436 = arith.constant 8 : i32
      %eq3A_437 = arith.constant 0 : i32
      %eq3A_438 = arith.cmpi eq, %jit3A_436, %eq3A_437 : i32
      %jit3A_439 = arith.constant 1 : i32
      %select_n3A_440 = arith.select %eq3A_438, %jit3A_439, %jit3A_436 : i32
      %rem3A_441 = arith.remsi %mul3A_411, %select_n3A_440 : i32
      %ne3A_442 = arith.constant 0 : i32
      %ne3A_443 = arith.cmpi ne, %rem3A_441, %ne3A_442 : i32
      %lt3A_444 = arith.constant 0 : i32
      %lt3A_445 = arith.cmpi slt, %rem3A_441, %lt3A_444 : i32
      %lt3A_446 = arith.constant 0 : i32
      %lt3A_447 = arith.cmpi slt, %select_n3A_440, %lt3A_446 : i32
      %ne3A_448 = arith.xori %lt3A_445, %lt3A_447 : i1
      %and3A_449 = arith.andi %ne3A_448, %ne3A_443 : i1
      %add3A_450 = arith.addi %rem3A_441, %select_n3A_440 : i32
      %select_n3A_451 = arith.select %and3A_449, %add3A_450, %rem3A_441 : i32
      %mul3A_452 = arith.constant 16 : i32
      %mul3A_453 = arith.muli %select_n3A_451, %mul3A_452 : i32
      %dma_start3A_454 = arith.constant 0 : i32
      %dma_start3A_455 = arith.constant 0 : i32
      %dma_start3A_456 = tpu.memref_slice %arg4[%select_n3A_377, %select_n3A_393, %dma_start3A_454, %select_n3A_435, %dma_start3A_455, %mul3A_453] : memref<2x32x125x4x8x128xf32, #tpu.memory_space<hbm>> -> memref<1x1x125x1x8x32xf32, #tpu.memory_space<hbm>>
      %dma_start3A_457 = tpu.memref_squeeze %dma_start3A_456 : memref<1x1x125x1x8x32xf32, #tpu.memory_space<hbm>> -> memref<125x8x32xf32, #tpu.memory_space<hbm>>
      %dma_start3A_458 = arith.constant 0 : i32
      %dma_start3A_459 = arith.constant 0 : i32
      %dma_start3A_460 = tpu.memref_slice %arg4[%select_n3A_377, %select_n3A_393, %dma_start3A_458, %select_n3A_435, %dma_start3A_459, %mul3A_453] : memref<2x32x125x4x8x128xf32, #tpu.memory_space<hbm>> -> memref<1x1x125x1x8x32xf32, #tpu.memory_space<hbm>>
      %dma_start3A_461 = tpu.memref_squeeze %dma_start3A_460 : memref<1x1x125x1x8x32xf32, #tpu.memory_space<hbm>> -> memref<125x8x32xf32, #tpu.memory_space<hbm>>
      tpu.enqueue_dma source(%arg8 : memref<125x8x32xf32, #tpu.memory_space<vmem>>) target(%dma_start3A_461 : memref<125x8x32xf32, #tpu.memory_space<hbm>>) target_semaphore(%arg14 : memref<!tpu.dma_semaphore, #tpu.memory_space<semaphore_mem>>)
      %mul3A_462 = arith.constant 2 : i32
      %mul3A_463 = arith.muli %mul3A_462, %add3A_253 : i32
      %add3A_464 = arith.constant 1 : i32
      %add3A_465 = arith.addi %mul3A_463, %add3A_464 : i32
      %lt3A_466 = arith.constant 16 : i32
      %lt3A_467 = arith.cmpi slt, %add3A_465, %lt3A_466 : i32
      %add3A_468 = arith.constant 32 : i32
      %add3A_469 = arith.addi %add3A, %add3A_468 : i32
      %select_n3A_470 = arith.select %lt3A_467, %add3A, %add3A_469 : i32
      %jit3A_471 = arith.constant 32 : i32
      %div3A_472 = arith.divsi %select_n3A_470, %jit3A_471 : i32
      %sign3A_473 = arith.constant 0 : i32
      %sign3A_474 = arith.cmpi sgt, %select_n3A_470, %sign3A_473 : i32
      %sign3A_475 = arith.extui %sign3A_474 : i1 to i32
      %sign3A_476 = arith.constant 0 : i32
      %sign3A_477 = arith.cmpi slt, %select_n3A_470, %sign3A_476 : i32
      %sign3A_478 = arith.extui %sign3A_477 : i1 to i32
      %sign3A_479 = arith.subi %sign3A_475, %sign3A_478 : i32
      %sign3A_480 = arith.constant 0 : i32
      %sign3A_481 = arith.cmpi sgt, %jit3A_471, %sign3A_480 : i32
      %sign3A_482 = arith.extui %sign3A_481 : i1 to i32
      %sign3A_483 = arith.constant 0 : i32
      %sign3A_484 = arith.cmpi slt, %jit3A_471, %sign3A_483 : i32
      %sign3A_485 = arith.extui %sign3A_484 : i1 to i32
      %sign3A_486 = arith.subi %sign3A_482, %sign3A_485 : i32
      %ne3A_487 = arith.cmpi ne, %sign3A_479, %sign3A_486 : i32
      %rem3A_488 = arith.remsi %select_n3A_470, %jit3A_471 : i32
      %ne3A_489 = arith.constant 0 : i32
      %ne3A_490 = arith.cmpi ne, %rem3A_488, %ne3A_489 : i32
      %and3A_491 = arith.andi %ne3A_487, %ne3A_490 : i1
      %sub3A_492 = arith.constant 1 : i32
      %sub3A_493 = arith.subi %div3A_472, %sub3A_492 : i32
      %select_n3A_494 = arith.select %and3A_491, %sub3A_493, %div3A_472 : i32
      %jit3A_495 = arith.constant 32 : i32
      %eq3A_496 = arith.constant 0 : i32
      %eq3A_497 = arith.cmpi eq, %jit3A_495, %eq3A_496 : i32
      %jit3A_498 = arith.constant 1 : i32
      %select_n3A_499 = arith.select %eq3A_497, %jit3A_498, %jit3A_495 : i32
      %rem3A_500 = arith.remsi %select_n3A_470, %select_n3A_499 : i32
      %ne3A_501 = arith.constant 0 : i32
      %ne3A_502 = arith.cmpi ne, %rem3A_500, %ne3A_501 : i32
      %lt3A_503 = arith.constant 0 : i32
      %lt3A_504 = arith.cmpi slt, %rem3A_500, %lt3A_503 : i32
      %lt3A_505 = arith.constant 0 : i32
      %lt3A_506 = arith.cmpi slt, %select_n3A_499, %lt3A_505 : i32
      %ne3A_507 = arith.xori %lt3A_504, %lt3A_506 : i1
      %and3A_508 = arith.andi %ne3A_507, %ne3A_502 : i1
      %add3A_509 = arith.addi %rem3A_500, %select_n3A_499 : i32
      %select_n3A_510 = arith.select %and3A_508, %add3A_509, %rem3A_500 : i32
      %jit3A_511 = arith.constant 16 : i32
      %eq3A_512 = arith.constant 0 : i32
      %eq3A_513 = arith.cmpi eq, %jit3A_511, %eq3A_512 : i32
      %jit3A_514 = arith.constant 1 : i32
      %select_n3A_515 = arith.select %eq3A_513, %jit3A_514, %jit3A_511 : i32
      %rem3A_516 = arith.remsi %add3A_465, %select_n3A_515 : i32
      %ne3A_517 = arith.constant 0 : i32
      %ne3A_518 = arith.cmpi ne, %rem3A_516, %ne3A_517 : i32
      %lt3A_519 = arith.constant 0 : i32
      %lt3A_520 = arith.cmpi slt, %rem3A_516, %lt3A_519 : i32
      %lt3A_521 = arith.constant 0 : i32
      %lt3A_522 = arith.cmpi slt, %select_n3A_515, %lt3A_521 : i32
      %ne3A_523 = arith.xori %lt3A_520, %lt3A_522 : i1
      %and3A_524 = arith.andi %ne3A_523, %ne3A_518 : i1
      %add3A_525 = arith.addi %rem3A_516, %select_n3A_515 : i32
      %select_n3A_526 = arith.select %and3A_524, %add3A_525, %rem3A_516 : i32
      %mul3A_527 = arith.constant 2 : i32
      %mul3A_528 = arith.muli %mul3A_527, %select_n3A_526 : i32
      %dma_wait3A_529 = arith.constant 0 : i32
      %dma_wait3A_530 = tpu.memref_slice %arg2[%mul3A_528, %select_n3A_494, %select_n3A_510, %dma_wait3A_529] : memref<32x2x32x4000xf32, #tpu.memory_space<hbm>> -> memref<2x1x1x4000xf32, #tpu.memory_space<hbm>>
      %dma_wait3A_531 = tpu.memref_squeeze %dma_wait3A_530 : memref<2x1x1x4000xf32, #tpu.memory_space<hbm>> -> memref<2x4000xf32, #tpu.memory_space<hbm>>
      %dma_wait3A_532 = arith.constant 0 : i32
      %dma_wait3A_533 = tpu.memref_slice %arg2[%mul3A_528, %select_n3A_494, %select_n3A_510, %dma_wait3A_532] : memref<32x2x32x4000xf32, #tpu.memory_space<hbm>> -> memref<2x1x1x4000xf32, #tpu.memory_space<hbm>>
      %dma_wait3A_534 = tpu.memref_squeeze %dma_wait3A_533 : memref<2x1x1x4000xf32, #tpu.memory_space<hbm>> -> memref<2x4000xf32, #tpu.memory_space<hbm>>
      tpu.wait_dma2 semaphore(%arg13 : memref<!tpu.dma_semaphore, #tpu.memory_space<semaphore_mem>>) src(%dma_wait3A_534 : memref<2x4000xf32, #tpu.memory_space<hbm>>) dst(%arg7 : memref<2x4000xf32, #tpu.memory_space<vmem>>)
      %lt3A_535 = arith.constant 31 : i32
      %lt3A_536 = arith.cmpi slt, %add3A_465, %lt3A_535 : i32
      %convert_element_type3A_537 = arith.extui %lt3A_536 : i1 to i32
      %cond3A_538 = arith.constant 0 : i32
      %cond3A_539 = arith.cmpi ne, %convert_element_type3A_537, %cond3A_538 : i32
      scf.if %cond3A_539 {
        %add3A_674 = arith.constant 1 : i32
        %add3A_675 = arith.addi %add3A_465, %add3A_674 : i32
        %lt3A_676 = arith.constant 16 : i32
        %lt3A_677 = arith.cmpi slt, %add3A_675, %lt3A_676 : i32
        %add3A_678 = arith.constant 32 : i32
        %add3A_679 = arith.addi %add3A, %add3A_678 : i32
        %select_n3A_680 = arith.select %lt3A_677, %add3A, %add3A_679 : i32
        %jit3A_681 = arith.constant 32 : i32
        %div3A_682 = arith.divsi %select_n3A_680, %jit3A_681 : i32
        %sign3A_683 = arith.constant 0 : i32
        %sign3A_684 = arith.cmpi sgt, %select_n3A_680, %sign3A_683 : i32
        %sign3A_685 = arith.extui %sign3A_684 : i1 to i32
        %sign3A_686 = arith.constant 0 : i32
        %sign3A_687 = arith.cmpi slt, %select_n3A_680, %sign3A_686 : i32
        %sign3A_688 = arith.extui %sign3A_687 : i1 to i32
        %sign3A_689 = arith.subi %sign3A_685, %sign3A_688 : i32
        %sign3A_690 = arith.constant 0 : i32
        %sign3A_691 = arith.cmpi sgt, %jit3A_681, %sign3A_690 : i32
        %sign3A_692 = arith.extui %sign3A_691 : i1 to i32
        %sign3A_693 = arith.constant 0 : i32
        %sign3A_694 = arith.cmpi slt, %jit3A_681, %sign3A_693 : i32
        %sign3A_695 = arith.extui %sign3A_694 : i1 to i32
        %sign3A_696 = arith.subi %sign3A_692, %sign3A_695 : i32
        %ne3A_697 = arith.cmpi ne, %sign3A_689, %sign3A_696 : i32
        %rem3A_698 = arith.remsi %select_n3A_680, %jit3A_681 : i32
        %ne3A_699 = arith.constant 0 : i32
        %ne3A_700 = arith.cmpi ne, %rem3A_698, %ne3A_699 : i32
        %and3A_701 = arith.andi %ne3A_697, %ne3A_700 : i1
        %sub3A_702 = arith.constant 1 : i32
        %sub3A_703 = arith.subi %div3A_682, %sub3A_702 : i32
        %select_n3A_704 = arith.select %and3A_701, %sub3A_703, %div3A_682 : i32
        %jit3A_705 = arith.constant 32 : i32
        %eq3A_706 = arith.constant 0 : i32
        %eq3A_707 = arith.cmpi eq, %jit3A_705, %eq3A_706 : i32
        %jit3A_708 = arith.constant 1 : i32
        %select_n3A_709 = arith.select %eq3A_707, %jit3A_708, %jit3A_705 : i32
        %rem3A_710 = arith.remsi %select_n3A_680, %select_n3A_709 : i32
        %ne3A_711 = arith.constant 0 : i32
        %ne3A_712 = arith.cmpi ne, %rem3A_710, %ne3A_711 : i32
        %lt3A_713 = arith.constant 0 : i32
        %lt3A_714 = arith.cmpi slt, %rem3A_710, %lt3A_713 : i32
        %lt3A_715 = arith.constant 0 : i32
        %lt3A_716 = arith.cmpi slt, %select_n3A_709, %lt3A_715 : i32
        %ne3A_717 = arith.xori %lt3A_714, %lt3A_716 : i1
        %and3A_718 = arith.andi %ne3A_717, %ne3A_712 : i1
        %add3A_719 = arith.addi %rem3A_710, %select_n3A_709 : i32
        %select_n3A_720 = arith.select %and3A_718, %add3A_719, %rem3A_710 : i32
        %jit3A_721 = arith.constant 16 : i32
        %eq3A_722 = arith.constant 0 : i32
        %eq3A_723 = arith.cmpi eq, %jit3A_721, %eq3A_722 : i32
        %jit3A_724 = arith.constant 1 : i32
        %select_n3A_725 = arith.select %eq3A_723, %jit3A_724, %jit3A_721 : i32
        %rem3A_726 = arith.remsi %add3A_675, %select_n3A_725 : i32
        %ne3A_727 = arith.constant 0 : i32
        %ne3A_728 = arith.cmpi ne, %rem3A_726, %ne3A_727 : i32
        %lt3A_729 = arith.constant 0 : i32
        %lt3A_730 = arith.cmpi slt, %rem3A_726, %lt3A_729 : i32
        %lt3A_731 = arith.constant 0 : i32
        %lt3A_732 = arith.cmpi slt, %select_n3A_725, %lt3A_731 : i32
        %ne3A_733 = arith.xori %lt3A_730, %lt3A_732 : i1
        %and3A_734 = arith.andi %ne3A_733, %ne3A_728 : i1
        %add3A_735 = arith.addi %rem3A_726, %select_n3A_725 : i32
        %select_n3A_736 = arith.select %and3A_734, %add3A_735, %rem3A_726 : i32
        %mul3A_737 = arith.constant 2 : i32
        %mul3A_738 = arith.muli %mul3A_737, %select_n3A_736 : i32
        %dma_start3A_739 = arith.constant 0 : i32
        %dma_start3A_740 = tpu.memref_slice %arg2[%mul3A_738, %select_n3A_704, %select_n3A_720, %dma_start3A_739] : memref<32x2x32x4000xf32, #tpu.memory_space<hbm>> -> memref<2x1x1x4000xf32, #tpu.memory_space<hbm>>
        %dma_start3A_741 = tpu.memref_squeeze %dma_start3A_740 : memref<2x1x1x4000xf32, #tpu.memory_space<hbm>> -> memref<2x4000xf32, #tpu.memory_space<hbm>>
        %dma_start3A_742 = arith.constant 0 : i32
        %dma_start3A_743 = tpu.memref_slice %arg2[%mul3A_738, %select_n3A_704, %select_n3A_720, %dma_start3A_742] : memref<32x2x32x4000xf32, #tpu.memory_space<hbm>> -> memref<2x1x1x4000xf32, #tpu.memory_space<hbm>>
        %dma_start3A_744 = tpu.memref_squeeze %dma_start3A_743 : memref<2x1x1x4000xf32, #tpu.memory_space<hbm>> -> memref<2x4000xf32, #tpu.memory_space<hbm>>
        tpu.enqueue_dma source(%dma_start3A_744 : memref<2x4000xf32, #tpu.memory_space<hbm>>) target(%arg6 : memref<2x4000xf32, #tpu.memory_space<vmem>>) target_semaphore(%arg12 : memref<!tpu.dma_semaphore, #tpu.memory_space<semaphore_mem>>)
      } else {
      }
      %ge3A_540 = arith.constant 2 : i32
      %ge3A_541 = arith.cmpi sge, %add3A_465, %ge3A_540 : i32
      %convert_element_type3A_542 = arith.extui %ge3A_541 : i1 to i32
      %cond3A_543 = arith.constant 0 : i32
      %cond3A_544 = arith.cmpi ne, %convert_element_type3A_542, %cond3A_543 : i32
      scf.if %cond3A_544 {
        %sub3A_674 = arith.constant 2 : i32
        %sub3A_675 = arith.subi %add3A_465, %sub3A_674 : i32
        %lt3A_676 = arith.constant 16 : i32
        %lt3A_677 = arith.cmpi slt, %sub3A_675, %lt3A_676 : i32
        %add3A_678 = arith.constant 32 : i32
        %add3A_679 = arith.addi %add3A, %add3A_678 : i32
        %select_n3A_680 = arith.select %lt3A_677, %add3A, %add3A_679 : i32
        %jit3A_681 = arith.constant 32 : i32
        %div3A_682 = arith.divsi %select_n3A_680, %jit3A_681 : i32
        %sign3A_683 = arith.constant 0 : i32
        %sign3A_684 = arith.cmpi sgt, %select_n3A_680, %sign3A_683 : i32
        %sign3A_685 = arith.extui %sign3A_684 : i1 to i32
        %sign3A_686 = arith.constant 0 : i32
        %sign3A_687 = arith.cmpi slt, %select_n3A_680, %sign3A_686 : i32
        %sign3A_688 = arith.extui %sign3A_687 : i1 to i32
        %sign3A_689 = arith.subi %sign3A_685, %sign3A_688 : i32
        %sign3A_690 = arith.constant 0 : i32
        %sign3A_691 = arith.cmpi sgt, %jit3A_681, %sign3A_690 : i32
        %sign3A_692 = arith.extui %sign3A_691 : i1 to i32
        %sign3A_693 = arith.constant 0 : i32
        %sign3A_694 = arith.cmpi slt, %jit3A_681, %sign3A_693 : i32
        %sign3A_695 = arith.extui %sign3A_694 : i1 to i32
        %sign3A_696 = arith.subi %sign3A_692, %sign3A_695 : i32
        %ne3A_697 = arith.cmpi ne, %sign3A_689, %sign3A_696 : i32
        %rem3A_698 = arith.remsi %select_n3A_680, %jit3A_681 : i32
        %ne3A_699 = arith.constant 0 : i32
        %ne3A_700 = arith.cmpi ne, %rem3A_698, %ne3A_699 : i32
        %and3A_701 = arith.andi %ne3A_697, %ne3A_700 : i1
        %sub3A_702 = arith.constant 1 : i32
        %sub3A_703 = arith.subi %div3A_682, %sub3A_702 : i32
        %select_n3A_704 = arith.select %and3A_701, %sub3A_703, %div3A_682 : i32
        %jit3A_705 = arith.constant 32 : i32
        %eq3A_706 = arith.constant 0 : i32
        %eq3A_707 = arith.cmpi eq, %jit3A_705, %eq3A_706 : i32
        %jit3A_708 = arith.constant 1 : i32
        %select_n3A_709 = arith.select %eq3A_707, %jit3A_708, %jit3A_705 : i32
        %rem3A_710 = arith.remsi %select_n3A_680, %select_n3A_709 : i32
        %ne3A_711 = arith.constant 0 : i32
        %ne3A_712 = arith.cmpi ne, %rem3A_710, %ne3A_711 : i32
        %lt3A_713 = arith.constant 0 : i32
        %lt3A_714 = arith.cmpi slt, %rem3A_710, %lt3A_713 : i32
        %lt3A_715 = arith.constant 0 : i32
        %lt3A_716 = arith.cmpi slt, %select_n3A_709, %lt3A_715 : i32
        %ne3A_717 = arith.xori %lt3A_714, %lt3A_716 : i1
        %and3A_718 = arith.andi %ne3A_717, %ne3A_712 : i1
        %add3A_719 = arith.addi %rem3A_710, %select_n3A_709 : i32
        %select_n3A_720 = arith.select %and3A_718, %add3A_719, %rem3A_710 : i32
        %jit3A_721 = arith.constant 16 : i32
        %eq3A_722 = arith.constant 0 : i32
        %eq3A_723 = arith.cmpi eq, %jit3A_721, %eq3A_722 : i32
        %jit3A_724 = arith.constant 1 : i32
        %select_n3A_725 = arith.select %eq3A_723, %jit3A_724, %jit3A_721 : i32
        %rem3A_726 = arith.remsi %sub3A_675, %select_n3A_725 : i32
        %ne3A_727 = arith.constant 0 : i32
        %ne3A_728 = arith.cmpi ne, %rem3A_726, %ne3A_727 : i32
        %lt3A_729 = arith.constant 0 : i32
        %lt3A_730 = arith.cmpi slt, %rem3A_726, %lt3A_729 : i32
        %lt3A_731 = arith.constant 0 : i32
        %lt3A_732 = arith.cmpi slt, %select_n3A_725, %lt3A_731 : i32
        %ne3A_733 = arith.xori %lt3A_730, %lt3A_732 : i1
        %and3A_734 = arith.andi %ne3A_733, %ne3A_728 : i1
        %add3A_735 = arith.addi %rem3A_726, %select_n3A_725 : i32
        %select_n3A_736 = arith.select %and3A_734, %add3A_735, %rem3A_726 : i32
        %mul3A_737 = arith.constant 2 : i32
        %mul3A_738 = arith.muli %mul3A_737, %select_n3A_736 : i32
        %jit3A_739 = arith.constant 8 : i32
        %div3A_740 = arith.divsi %mul3A_738, %jit3A_739 : i32
        %sign3A_741 = arith.constant 0 : i32
        %sign3A_742 = arith.cmpi sgt, %mul3A_738, %sign3A_741 : i32
        %sign3A_743 = arith.extui %sign3A_742 : i1 to i32
        %sign3A_744 = arith.constant 0 : i32
        %sign3A_745 = arith.cmpi slt, %mul3A_738, %sign3A_744 : i32
        %sign3A_746 = arith.extui %sign3A_745 : i1 to i32
        %sign3A_747 = arith.subi %sign3A_743, %sign3A_746 : i32
        %sign3A_748 = arith.constant 0 : i32
        %sign3A_749 = arith.cmpi sgt, %jit3A_739, %sign3A_748 : i32
        %sign3A_750 = arith.extui %sign3A_749 : i1 to i32
        %sign3A_751 = arith.constant 0 : i32
        %sign3A_752 = arith.cmpi slt, %jit3A_739, %sign3A_751 : i32
        %sign3A_753 = arith.extui %sign3A_752 : i1 to i32
        %sign3A_754 = arith.subi %sign3A_750, %sign3A_753 : i32
        %ne3A_755 = arith.cmpi ne, %sign3A_747, %sign3A_754 : i32
        %rem3A_756 = arith.remsi %mul3A_738, %jit3A_739 : i32
        %ne3A_757 = arith.constant 0 : i32
        %ne3A_758 = arith.cmpi ne, %rem3A_756, %ne3A_757 : i32
        %and3A_759 = arith.andi %ne3A_755, %ne3A_758 : i1
        %sub3A_760 = arith.constant 1 : i32
        %sub3A_761 = arith.subi %div3A_740, %sub3A_760 : i32
        %select_n3A_762 = arith.select %and3A_759, %sub3A_761, %div3A_740 : i32
        %jit3A_763 = arith.constant 8 : i32
        %eq3A_764 = arith.constant 0 : i32
        %eq3A_765 = arith.cmpi eq, %jit3A_763, %eq3A_764 : i32
        %jit3A_766 = arith.constant 1 : i32
        %select_n3A_767 = arith.select %eq3A_765, %jit3A_766, %jit3A_763 : i32
        %rem3A_768 = arith.remsi %mul3A_738, %select_n3A_767 : i32
        %ne3A_769 = arith.constant 0 : i32
        %ne3A_770 = arith.cmpi ne, %rem3A_768, %ne3A_769 : i32
        %lt3A_771 = arith.constant 0 : i32
        %lt3A_772 = arith.cmpi slt, %rem3A_768, %lt3A_771 : i32
        %lt3A_773 = arith.constant 0 : i32
        %lt3A_774 = arith.cmpi slt, %select_n3A_767, %lt3A_773 : i32
        %ne3A_775 = arith.xori %lt3A_772, %lt3A_774 : i1
        %and3A_776 = arith.andi %ne3A_775, %ne3A_770 : i1
        %add3A_777 = arith.addi %rem3A_768, %select_n3A_767 : i32
        %select_n3A_778 = arith.select %and3A_776, %add3A_777, %rem3A_768 : i32
        %mul3A_779 = arith.constant 16 : i32
        %mul3A_780 = arith.muli %select_n3A_778, %mul3A_779 : i32
        %dma_wait3A_781 = arith.constant 0 : i32
        %dma_wait3A_782 = arith.constant 0 : i32
        %dma_wait3A_783 = tpu.memref_slice %arg4[%select_n3A_704, %select_n3A_720, %dma_wait3A_781, %select_n3A_762, %dma_wait3A_782, %mul3A_780] : memref<2x32x125x4x8x128xf32, #tpu.memory_space<hbm>> -> memref<1x1x125x1x8x32xf32, #tpu.memory_space<hbm>>
        %dma_wait3A_784 = tpu.memref_squeeze %dma_wait3A_783 : memref<1x1x125x1x8x32xf32, #tpu.memory_space<hbm>> -> memref<125x8x32xf32, #tpu.memory_space<hbm>>
        %dma_wait3A_785 = arith.constant 0 : i32
        %dma_wait3A_786 = arith.constant 0 : i32
        %dma_wait3A_787 = tpu.memref_slice %arg4[%select_n3A_704, %select_n3A_720, %dma_wait3A_785, %select_n3A_762, %dma_wait3A_786, %mul3A_780] : memref<2x32x125x4x8x128xf32, #tpu.memory_space<hbm>> -> memref<1x1x125x1x8x32xf32, #tpu.memory_space<hbm>>
        %dma_wait3A_788 = tpu.memref_squeeze %dma_wait3A_787 : memref<1x1x125x1x8x32xf32, #tpu.memory_space<hbm>> -> memref<125x8x32xf32, #tpu.memory_space<hbm>>
        tpu.wait_dma2 semaphore(%arg15 : memref<!tpu.dma_semaphore, #tpu.memory_space<semaphore_mem>>) src(%arg9 : memref<125x8x32xf32, #tpu.memory_space<vmem>>) dst(%dma_wait3A_788 : memref<125x8x32xf32, #tpu.memory_space<hbm>>)
      } else {
      }
      %broadcast_in_dim3A_545 = arith.constant 0 : i32
      %broadcast_in_dim3A_546 = vector.broadcast %broadcast_in_dim3A_545 : i32 to vector<16xi32>
      %add3A_547 = arith.constant 0 : i32
      %add3A_548 = vector.broadcast %add3A_547 : i32 to vector<16xi32>
      %add3A_549 = arith.addi %broadcast_in_dim3A_546, %add3A_548 : vector<16xi32>
      %parallel_loop3A_550 = arith.constant 0 : i32
      %parallel_loop3A_551 = arith.constant 125 : i32
      %parallel_loop3A_552 = arith.constant 1 : i32
      scf.for %parallel_loop3A_674 = %parallel_loop3A_550 to %parallel_loop3A_551 step %parallel_loop3A_552  : i32 {
        %parallel_loop3A_675 = arith.constant 8 : i32
        %parallel_loop3A_676 = arith.muli %parallel_loop3A_674, %parallel_loop3A_675 : i32
        %parallel_loop3A_677 = arith.constant 0 : i32
        %parallel_loop3A_678 = arith.addi %parallel_loop3A_676, %parallel_loop3A_677 : i32
        %parallel_loop3A_679 = vector.broadcast %parallel_loop3A_678 : i32 to vector<16xi32>
        %parallel_loop3A_680 = arith.addi %mul3A_65, %parallel_loop3A_679 : vector<16xi32>
        %parallel_loop3A_681 = tpu.vector_load_idx %arg7[%add3A_549, %parallel_loop3A_680] : memref<2x4000xf32, #tpu.memory_space<vmem>>[vector<16xi32>, vector<16xi32>], vector<16xf32>,
        %parallel_loop3A_682 = arith.constant 1 : i32
        %parallel_loop3A_683 = arith.addi %parallel_loop3A_676, %parallel_loop3A_682 : i32
        %parallel_loop3A_684 = vector.broadcast %parallel_loop3A_683 : i32 to vector<16xi32>
        %parallel_loop3A_685 = arith.addi %mul3A_65, %parallel_loop3A_684 : vector<16xi32>
        %parallel_loop3A_686 = tpu.vector_load_idx %arg7[%add3A_549, %parallel_loop3A_685] : memref<2x4000xf32, #tpu.memory_space<vmem>>[vector<16xi32>, vector<16xi32>], vector<16xf32>,
        %parallel_loop3A_687 = arith.constant 2 : i32
        %parallel_loop3A_688 = arith.addi %parallel_loop3A_676, %parallel_loop3A_687 : i32
        %parallel_loop3A_689 = vector.broadcast %parallel_loop3A_688 : i32 to vector<16xi32>
        %parallel_loop3A_690 = arith.addi %mul3A_65, %parallel_loop3A_689 : vector<16xi32>
        %parallel_loop3A_691 = tpu.vector_load_idx %arg7[%add3A_549, %parallel_loop3A_690] : memref<2x4000xf32, #tpu.memory_space<vmem>>[vector<16xi32>, vector<16xi32>], vector<16xf32>,
        %parallel_loop3A_692 = arith.constant 3 : i32
        %parallel_loop3A_693 = arith.addi %parallel_loop3A_676, %parallel_loop3A_692 : i32
        %parallel_loop3A_694 = vector.broadcast %parallel_loop3A_693 : i32 to vector<16xi32>
        %parallel_loop3A_695 = arith.addi %mul3A_65, %parallel_loop3A_694 : vector<16xi32>
        %parallel_loop3A_696 = tpu.vector_load_idx %arg7[%add3A_549, %parallel_loop3A_695] : memref<2x4000xf32, #tpu.memory_space<vmem>>[vector<16xi32>, vector<16xi32>], vector<16xf32>,
        %parallel_loop3A_697 = arith.constant 4 : i32
        %parallel_loop3A_698 = arith.addi %parallel_loop3A_676, %parallel_loop3A_697 : i32
        %parallel_loop3A_699 = vector.broadcast %parallel_loop3A_698 : i32 to vector<16xi32>
        %parallel_loop3A_700 = arith.addi %mul3A_65, %parallel_loop3A_699 : vector<16xi32>
        %parallel_loop3A_701 = tpu.vector_load_idx %arg7[%add3A_549, %parallel_loop3A_700] : memref<2x4000xf32, #tpu.memory_space<vmem>>[vector<16xi32>, vector<16xi32>], vector<16xf32>,
        %parallel_loop3A_702 = arith.constant 5 : i32
        %parallel_loop3A_703 = arith.addi %parallel_loop3A_676, %parallel_loop3A_702 : i32
        %parallel_loop3A_704 = vector.broadcast %parallel_loop3A_703 : i32 to vector<16xi32>
        %parallel_loop3A_705 = arith.addi %mul3A_65, %parallel_loop3A_704 : vector<16xi32>
        %parallel_loop3A_706 = tpu.vector_load_idx %arg7[%add3A_549, %parallel_loop3A_705] : memref<2x4000xf32, #tpu.memory_space<vmem>>[vector<16xi32>, vector<16xi32>], vector<16xf32>,
        %parallel_loop3A_707 = arith.constant 6 : i32
        %parallel_loop3A_708 = arith.addi %parallel_loop3A_676, %parallel_loop3A_707 : i32
        %parallel_loop3A_709 = vector.broadcast %parallel_loop3A_708 : i32 to vector<16xi32>
        %parallel_loop3A_710 = arith.addi %mul3A_65, %parallel_loop3A_709 : vector<16xi32>
        %parallel_loop3A_711 = tpu.vector_load_idx %arg7[%add3A_549, %parallel_loop3A_710] : memref<2x4000xf32, #tpu.memory_space<vmem>>[vector<16xi32>, vector<16xi32>], vector<16xf32>,
        %parallel_loop3A_712 = arith.constant 7 : i32
        %parallel_loop3A_713 = arith.addi %parallel_loop3A_676, %parallel_loop3A_712 : i32
        %parallel_loop3A_714 = vector.broadcast %parallel_loop3A_713 : i32 to vector<16xi32>
        %parallel_loop3A_715 = arith.addi %mul3A_65, %parallel_loop3A_714 : vector<16xi32>
        %parallel_loop3A_716 = tpu.vector_load_idx %arg7[%add3A_549, %parallel_loop3A_715] : memref<2x4000xf32, #tpu.memory_space<vmem>>[vector<16xi32>, vector<16xi32>], vector<16xf32>,
        %parallel_loop3A_717 = arith.constant 0 : i32
        %parallel_loop3A_718 = arith.index_cast %parallel_loop3A_674 : i32 to index
        %parallel_loop3A_719 = arith.index_cast %parallel_loop3A_717 : i32 to index
        %parallel_loop3A_720 = arith.constant 0 : index
        %parallel_loop3A_721 = tpu.vector_load %arg9[%parallel_loop3A_718, %parallel_loop3A_719, %parallel_loop3A_720] {strides = array<i32>} : memref<125x8x32xf32, #tpu.memory_space<vmem>>, vector<16xf32>,
        tpu.vector_store %arg9[%parallel_loop3A_718, %parallel_loop3A_719, %parallel_loop3A_720], %parallel_loop3A_681 {strides = array<i32>} : memref<125x8x32xf32, #tpu.memory_space<vmem>>, vector<16xf32>,
        %parallel_loop3A_722 = arith.constant 1 : i32
        %parallel_loop3A_723 = arith.index_cast %parallel_loop3A_674 : i32 to index
        %parallel_loop3A_724 = arith.index_cast %parallel_loop3A_722 : i32 to index
        %parallel_loop3A_725 = arith.constant 0 : index
        %parallel_loop3A_726 = tpu.vector_load %arg9[%parallel_loop3A_723, %parallel_loop3A_724, %parallel_loop3A_725] {strides = array<i32>} : memref<125x8x32xf32, #tpu.memory_space<vmem>>, vector<16xf32>,
        tpu.vector_store %arg9[%parallel_loop3A_723, %parallel_loop3A_724, %parallel_loop3A_725], %parallel_loop3A_686 {strides = array<i32>} : memref<125x8x32xf32, #tpu.memory_space<vmem>>, vector<16xf32>,
        %parallel_loop3A_727 = arith.constant 2 : i32
        %parallel_loop3A_728 = arith.index_cast %parallel_loop3A_674 : i32 to index
        %parallel_loop3A_729 = arith.index_cast %parallel_loop3A_727 : i32 to index
        %parallel_loop3A_730 = arith.constant 0 : index
        %parallel_loop3A_731 = tpu.vector_load %arg9[%parallel_loop3A_728, %parallel_loop3A_729, %parallel_loop3A_730] {strides = array<i32>} : memref<125x8x32xf32, #tpu.memory_space<vmem>>, vector<16xf32>,
        tpu.vector_store %arg9[%parallel_loop3A_728, %parallel_loop3A_729, %parallel_loop3A_730], %parallel_loop3A_691 {strides = array<i32>} : memref<125x8x32xf32, #tpu.memory_space<vmem>>, vector<16xf32>,
        %parallel_loop3A_732 = arith.constant 3 : i32
        %parallel_loop3A_733 = arith.index_cast %parallel_loop3A_674 : i32 to index
        %parallel_loop3A_734 = arith.index_cast %parallel_loop3A_732 : i32 to index
        %parallel_loop3A_735 = arith.constant 0 : index
        %parallel_loop3A_736 = tpu.vector_load %arg9[%parallel_loop3A_733, %parallel_loop3A_734, %parallel_loop3A_735] {strides = array<i32>} : memref<125x8x32xf32, #tpu.memory_space<vmem>>, vector<16xf32>,
        tpu.vector_store %arg9[%parallel_loop3A_733, %parallel_loop3A_734, %parallel_loop3A_735], %parallel_loop3A_696 {strides = array<i32>} : memref<125x8x32xf32, #tpu.memory_space<vmem>>, vector<16xf32>,
        %parallel_loop3A_737 = arith.constant 4 : i32
        %parallel_loop3A_738 = arith.index_cast %parallel_loop3A_674 : i32 to index
        %parallel_loop3A_739 = arith.index_cast %parallel_loop3A_737 : i32 to index
        %parallel_loop3A_740 = arith.constant 0 : index
        %parallel_loop3A_741 = tpu.vector_load %arg9[%parallel_loop3A_738, %parallel_loop3A_739, %parallel_loop3A_740] {strides = array<i32>} : memref<125x8x32xf32, #tpu.memory_space<vmem>>, vector<16xf32>,
        tpu.vector_store %arg9[%parallel_loop3A_738, %parallel_loop3A_739, %parallel_loop3A_740], %parallel_loop3A_701 {strides = array<i32>} : memref<125x8x32xf32, #tpu.memory_space<vmem>>, vector<16xf32>,
        %parallel_loop3A_742 = arith.constant 5 : i32
        %parallel_loop3A_743 = arith.index_cast %parallel_loop3A_674 : i32 to index
        %parallel_loop3A_744 = arith.index_cast %parallel_loop3A_742 : i32 to index
        %parallel_loop3A_745 = arith.constant 0 : index
        %parallel_loop3A_746 = tpu.vector_load %arg9[%parallel_loop3A_743, %parallel_loop3A_744, %parallel_loop3A_745] {strides = array<i32>} : memref<125x8x32xf32, #tpu.memory_space<vmem>>, vector<16xf32>,
        tpu.vector_store %arg9[%parallel_loop3A_743, %parallel_loop3A_744, %parallel_loop3A_745], %parallel_loop3A_706 {strides = array<i32>} : memref<125x8x32xf32, #tpu.memory_space<vmem>>, vector<16xf32>,
        %parallel_loop3A_747 = arith.constant 6 : i32
        %parallel_loop3A_748 = arith.index_cast %parallel_loop3A_674 : i32 to index
        %parallel_loop3A_749 = arith.index_cast %parallel_loop3A_747 : i32 to index
        %parallel_loop3A_750 = arith.constant 0 : index
        %parallel_loop3A_751 = tpu.vector_load %arg9[%parallel_loop3A_748, %parallel_loop3A_749, %parallel_loop3A_750] {strides = array<i32>} : memref<125x8x32xf32, #tpu.memory_space<vmem>>, vector<16xf32>,
        tpu.vector_store %arg9[%parallel_loop3A_748, %parallel_loop3A_749, %parallel_loop3A_750], %parallel_loop3A_711 {strides = array<i32>} : memref<125x8x32xf32, #tpu.memory_space<vmem>>, vector<16xf32>,
        %parallel_loop3A_752 = arith.constant 7 : i32
        %parallel_loop3A_753 = arith.index_cast %parallel_loop3A_674 : i32 to index
        %parallel_loop3A_754 = arith.index_cast %parallel_loop3A_752 : i32 to index
        %parallel_loop3A_755 = arith.constant 0 : index
        %parallel_loop3A_756 = tpu.vector_load %arg9[%parallel_loop3A_753, %parallel_loop3A_754, %parallel_loop3A_755] {strides = array<i32>} : memref<125x8x32xf32, #tpu.memory_space<vmem>>, vector<16xf32>,
        tpu.vector_store %arg9[%parallel_loop3A_753, %parallel_loop3A_754, %parallel_loop3A_755], %parallel_loop3A_716 {strides = array<i32>} : memref<125x8x32xf32, #tpu.memory_space<vmem>>, vector<16xf32>,
      } {sc.loop_unroll_factor = 4 : i64, sc.parallel_access}
      %broadcast_in_dim3A_553 = arith.constant 0 : i32
      %broadcast_in_dim3A_554 = vector.broadcast %broadcast_in_dim3A_553 : i32 to vector<16xi32>
      %add3A_555 = arith.constant 1 : i32
      %add3A_556 = vector.broadcast %add3A_555 : i32 to vector<16xi32>
      %add3A_557 = arith.addi %broadcast_in_dim3A_554, %add3A_556 : vector<16xi32>
      %parallel_loop3A_558 = arith.constant 0 : i32
      %parallel_loop3A_559 = arith.constant 125 : i32
      %parallel_loop3A_560 = arith.constant 1 : i32
      scf.for %parallel_loop3A_674 = %parallel_loop3A_558 to %parallel_loop3A_559 step %parallel_loop3A_560  : i32 {
        %parallel_loop3A_675 = arith.constant 8 : i32
        %parallel_loop3A_676 = arith.muli %parallel_loop3A_674, %parallel_loop3A_675 : i32
        %parallel_loop3A_677 = arith.constant 0 : i32
        %parallel_loop3A_678 = arith.addi %parallel_loop3A_676, %parallel_loop3A_677 : i32
        %parallel_loop3A_679 = vector.broadcast %parallel_loop3A_678 : i32 to vector<16xi32>
        %parallel_loop3A_680 = arith.addi %mul3A_65, %parallel_loop3A_679 : vector<16xi32>
        %parallel_loop3A_681 = tpu.vector_load_idx %arg7[%add3A_557, %parallel_loop3A_680] : memref<2x4000xf32, #tpu.memory_space<vmem>>[vector<16xi32>, vector<16xi32>], vector<16xf32>,
        %parallel_loop3A_682 = arith.constant 1 : i32
        %parallel_loop3A_683 = arith.addi %parallel_loop3A_676, %parallel_loop3A_682 : i32
        %parallel_loop3A_684 = vector.broadcast %parallel_loop3A_683 : i32 to vector<16xi32>
        %parallel_loop3A_685 = arith.addi %mul3A_65, %parallel_loop3A_684 : vector<16xi32>
        %parallel_loop3A_686 = tpu.vector_load_idx %arg7[%add3A_557, %parallel_loop3A_685] : memref<2x4000xf32, #tpu.memory_space<vmem>>[vector<16xi32>, vector<16xi32>], vector<16xf32>,
        %parallel_loop3A_687 = arith.constant 2 : i32
        %parallel_loop3A_688 = arith.addi %parallel_loop3A_676, %parallel_loop3A_687 : i32
        %parallel_loop3A_689 = vector.broadcast %parallel_loop3A_688 : i32 to vector<16xi32>
        %parallel_loop3A_690 = arith.addi %mul3A_65, %parallel_loop3A_689 : vector<16xi32>
        %parallel_loop3A_691 = tpu.vector_load_idx %arg7[%add3A_557, %parallel_loop3A_690] : memref<2x4000xf32, #tpu.memory_space<vmem>>[vector<16xi32>, vector<16xi32>], vector<16xf32>,
        %parallel_loop3A_692 = arith.constant 3 : i32
        %parallel_loop3A_693 = arith.addi %parallel_loop3A_676, %parallel_loop3A_692 : i32
        %parallel_loop3A_694 = vector.broadcast %parallel_loop3A_693 : i32 to vector<16xi32>
        %parallel_loop3A_695 = arith.addi %mul3A_65, %parallel_loop3A_694 : vector<16xi32>
        %parallel_loop3A_696 = tpu.vector_load_idx %arg7[%add3A_557, %parallel_loop3A_695] : memref<2x4000xf32, #tpu.memory_space<vmem>>[vector<16xi32>, vector<16xi32>], vector<16xf32>,
        %parallel_loop3A_697 = arith.constant 4 : i32
        %parallel_loop3A_698 = arith.addi %parallel_loop3A_676, %parallel_loop3A_697 : i32
        %parallel_loop3A_699 = vector.broadcast %parallel_loop3A_698 : i32 to vector<16xi32>
        %parallel_loop3A_700 = arith.addi %mul3A_65, %parallel_loop3A_699 : vector<16xi32>
        %parallel_loop3A_701 = tpu.vector_load_idx %arg7[%add3A_557, %parallel_loop3A_700] : memref<2x4000xf32, #tpu.memory_space<vmem>>[vector<16xi32>, vector<16xi32>], vector<16xf32>,
        %parallel_loop3A_702 = arith.constant 5 : i32
        %parallel_loop3A_703 = arith.addi %parallel_loop3A_676, %parallel_loop3A_702 : i32
        %parallel_loop3A_704 = vector.broadcast %parallel_loop3A_703 : i32 to vector<16xi32>
        %parallel_loop3A_705 = arith.addi %mul3A_65, %parallel_loop3A_704 : vector<16xi32>
        %parallel_loop3A_706 = tpu.vector_load_idx %arg7[%add3A_557, %parallel_loop3A_705] : memref<2x4000xf32, #tpu.memory_space<vmem>>[vector<16xi32>, vector<16xi32>], vector<16xf32>,
        %parallel_loop3A_707 = arith.constant 6 : i32
        %parallel_loop3A_708 = arith.addi %parallel_loop3A_676, %parallel_loop3A_707 : i32
        %parallel_loop3A_709 = vector.broadcast %parallel_loop3A_708 : i32 to vector<16xi32>
        %parallel_loop3A_710 = arith.addi %mul3A_65, %parallel_loop3A_709 : vector<16xi32>
        %parallel_loop3A_711 = tpu.vector_load_idx %arg7[%add3A_557, %parallel_loop3A_710] : memref<2x4000xf32, #tpu.memory_space<vmem>>[vector<16xi32>, vector<16xi32>], vector<16xf32>,
        %parallel_loop3A_712 = arith.constant 7 : i32
        %parallel_loop3A_713 = arith.addi %parallel_loop3A_676, %parallel_loop3A_712 : i32
        %parallel_loop3A_714 = vector.broadcast %parallel_loop3A_713 : i32 to vector<16xi32>
        %parallel_loop3A_715 = arith.addi %mul3A_65, %parallel_loop3A_714 : vector<16xi32>
        %parallel_loop3A_716 = tpu.vector_load_idx %arg7[%add3A_557, %parallel_loop3A_715] : memref<2x4000xf32, #tpu.memory_space<vmem>>[vector<16xi32>, vector<16xi32>], vector<16xf32>,
        %parallel_loop3A_717 = arith.constant 0 : i32
        %parallel_loop3A_718 = arith.index_cast %parallel_loop3A_674 : i32 to index
        %parallel_loop3A_719 = arith.index_cast %parallel_loop3A_717 : i32 to index
        %parallel_loop3A_720 = arith.constant 16 : index
        %parallel_loop3A_721 = tpu.vector_load %arg9[%parallel_loop3A_718, %parallel_loop3A_719, %parallel_loop3A_720] {strides = array<i32>} : memref<125x8x32xf32, #tpu.memory_space<vmem>>, vector<16xf32>,
        tpu.vector_store %arg9[%parallel_loop3A_718, %parallel_loop3A_719, %parallel_loop3A_720], %parallel_loop3A_681 {strides = array<i32>} : memref<125x8x32xf32, #tpu.memory_space<vmem>>, vector<16xf32>,
        %parallel_loop3A_722 = arith.constant 1 : i32
        %parallel_loop3A_723 = arith.index_cast %parallel_loop3A_674 : i32 to index
        %parallel_loop3A_724 = arith.index_cast %parallel_loop3A_722 : i32 to index
        %parallel_loop3A_725 = arith.constant 16 : index
        %parallel_loop3A_726 = tpu.vector_load %arg9[%parallel_loop3A_723, %parallel_loop3A_724, %parallel_loop3A_725] {strides = array<i32>} : memref<125x8x32xf32, #tpu.memory_space<vmem>>, vector<16xf32>,
        tpu.vector_store %arg9[%parallel_loop3A_723, %parallel_loop3A_724, %parallel_loop3A_725], %parallel_loop3A_686 {strides = array<i32>} : memref<125x8x32xf32, #tpu.memory_space<vmem>>, vector<16xf32>,
        %parallel_loop3A_727 = arith.constant 2 : i32
        %parallel_loop3A_728 = arith.index_cast %parallel_loop3A_674 : i32 to index
        %parallel_loop3A_729 = arith.index_cast %parallel_loop3A_727 : i32 to index
        %parallel_loop3A_730 = arith.constant 16 : index
        %parallel_loop3A_731 = tpu.vector_load %arg9[%parallel_loop3A_728, %parallel_loop3A_729, %parallel_loop3A_730] {strides = array<i32>} : memref<125x8x32xf32, #tpu.memory_space<vmem>>, vector<16xf32>,
        tpu.vector_store %arg9[%parallel_loop3A_728, %parallel_loop3A_729, %parallel_loop3A_730], %parallel_loop3A_691 {strides = array<i32>} : memref<125x8x32xf32, #tpu.memory_space<vmem>>, vector<16xf32>,
        %parallel_loop3A_732 = arith.constant 3 : i32
        %parallel_loop3A_733 = arith.index_cast %parallel_loop3A_674 : i32 to index
        %parallel_loop3A_734 = arith.index_cast %parallel_loop3A_732 : i32 to index
        %parallel_loop3A_735 = arith.constant 16 : index
        %parallel_loop3A_736 = tpu.vector_load %arg9[%parallel_loop3A_733, %parallel_loop3A_734, %parallel_loop3A_735] {strides = array<i32>} : memref<125x8x32xf32, #tpu.memory_space<vmem>>, vector<16xf32>,
        tpu.vector_store %arg9[%parallel_loop3A_733, %parallel_loop3A_734, %parallel_loop3A_735], %parallel_loop3A_696 {strides = array<i32>} : memref<125x8x32xf32, #tpu.memory_space<vmem>>, vector<16xf32>,
        %parallel_loop3A_737 = arith.constant 4 : i32
        %parallel_loop3A_738 = arith.index_cast %parallel_loop3A_674 : i32 to index
        %parallel_loop3A_739 = arith.index_cast %parallel_loop3A_737 : i32 to index
        %parallel_loop3A_740 = arith.constant 16 : index
        %parallel_loop3A_741 = tpu.vector_load %arg9[%parallel_loop3A_738, %parallel_loop3A_739, %parallel_loop3A_740] {strides = array<i32>} : memref<125x8x32xf32, #tpu.memory_space<vmem>>, vector<16xf32>,
        tpu.vector_store %arg9[%parallel_loop3A_738, %parallel_loop3A_739, %parallel_loop3A_740], %parallel_loop3A_701 {strides = array<i32>} : memref<125x8x32xf32, #tpu.memory_space<vmem>>, vector<16xf32>,
        %parallel_loop3A_742 = arith.constant 5 : i32
        %parallel_loop3A_743 = arith.index_cast %parallel_loop3A_674 : i32 to index
        %parallel_loop3A_744 = arith.index_cast %parallel_loop3A_742 : i32 to index
        %parallel_loop3A_745 = arith.constant 16 : index
        %parallel_loop3A_746 = tpu.vector_load %arg9[%parallel_loop3A_743, %parallel_loop3A_744, %parallel_loop3A_745] {strides = array<i32>} : memref<125x8x32xf32, #tpu.memory_space<vmem>>, vector<16xf32>,
        tpu.vector_store %arg9[%parallel_loop3A_743, %parallel_loop3A_744, %parallel_loop3A_745], %parallel_loop3A_706 {strides = array<i32>} : memref<125x8x32xf32, #tpu.memory_space<vmem>>, vector<16xf32>,
        %parallel_loop3A_747 = arith.constant 6 : i32
        %parallel_loop3A_748 = arith.index_cast %parallel_loop3A_674 : i32 to index
        %parallel_loop3A_749 = arith.index_cast %parallel_loop3A_747 : i32 to index
        %parallel_loop3A_750 = arith.constant 16 : index
        %parallel_loop3A_751 = tpu.vector_load %arg9[%parallel_loop3A_748, %parallel_loop3A_749, %parallel_loop3A_750] {strides = array<i32>} : memref<125x8x32xf32, #tpu.memory_space<vmem>>, vector<16xf32>,
        tpu.vector_store %arg9[%parallel_loop3A_748, %parallel_loop3A_749, %parallel_loop3A_750], %parallel_loop3A_711 {strides = array<i32>} : memref<125x8x32xf32, #tpu.memory_space<vmem>>, vector<16xf32>,
        %parallel_loop3A_752 = arith.constant 7 : i32
        %parallel_loop3A_753 = arith.index_cast %parallel_loop3A_674 : i32 to index
        %parallel_loop3A_754 = arith.index_cast %parallel_loop3A_752 : i32 to index
        %parallel_loop3A_755 = arith.constant 16 : index
        %parallel_loop3A_756 = tpu.vector_load %arg9[%parallel_loop3A_753, %parallel_loop3A_754, %parallel_loop3A_755] {strides = array<i32>} : memref<125x8x32xf32, #tpu.memory_space<vmem>>, vector<16xf32>,
        tpu.vector_store %arg9[%parallel_loop3A_753, %parallel_loop3A_754, %parallel_loop3A_755], %parallel_loop3A_716 {strides = array<i32>} : memref<125x8x32xf32, #tpu.memory_space<vmem>>, vector<16xf32>,
      } {sc.loop_unroll_factor = 4 : i64, sc.parallel_access}
      %lt3A_561 = arith.constant 16 : i32
      %lt3A_562 = arith.cmpi slt, %add3A_465, %lt3A_561 : i32
      %add3A_563 = arith.constant 32 : i32
      %add3A_564 = arith.addi %add3A, %add3A_563 : i32
      %select_n3A_565 = arith.select %lt3A_562, %add3A, %add3A_564 : i32
      %jit3A_566 = arith.constant 32 : i32
      %div3A_567 = arith.divsi %select_n3A_565, %jit3A_566 : i32
      %sign3A_568 = arith.constant 0 : i32
      %sign3A_569 = arith.cmpi sgt, %select_n3A_565, %sign3A_568 : i32
      %sign3A_570 = arith.extui %sign3A_569 : i1 to i32
      %sign3A_571 = arith.constant 0 : i32
      %sign3A_572 = arith.cmpi slt, %select_n3A_565, %sign3A_571 : i32
      %sign3A_573 = arith.extui %sign3A_572 : i1 to i32
      %sign3A_574 = arith.subi %sign3A_570, %sign3A_573 : i32
      %sign3A_575 = arith.constant 0 : i32
      %sign3A_576 = arith.cmpi sgt, %jit3A_566, %sign3A_575 : i32
      %sign3A_577 = arith.extui %sign3A_576 : i1 to i32
      %sign3A_578 = arith.constant 0 : i32
      %sign3A_579 = arith.cmpi slt, %jit3A_566, %sign3A_578 : i32
      %sign3A_580 = arith.extui %sign3A_579 : i1 to i32
      %sign3A_581 = arith.subi %sign3A_577, %sign3A_580 : i32
      %ne3A_582 = arith.cmpi ne, %sign3A_574, %sign3A_581 : i32
      %rem3A_583 = arith.remsi %select_n3A_565, %jit3A_566 : i32
      %ne3A_584 = arith.constant 0 : i32
      %ne3A_585 = arith.cmpi ne, %rem3A_583, %ne3A_584 : i32
      %and3A_586 = arith.andi %ne3A_582, %ne3A_585 : i1
      %sub3A_587 = arith.constant 1 : i32
      %sub3A_588 = arith.subi %div3A_567, %sub3A_587 : i32
      %select_n3A_589 = arith.select %and3A_586, %sub3A_588, %div3A_567 : i32
      %jit3A_590 = arith.constant 32 : i32
      %eq3A_591 = arith.constant 0 : i32
      %eq3A_592 = arith.cmpi eq, %jit3A_590, %eq3A_591 : i32
      %jit3A_593 = arith.constant 1 : i32
      %select_n3A_594 = arith.select %eq3A_592, %jit3A_593, %jit3A_590 : i32
      %rem3A_595 = arith.remsi %select_n3A_565, %select_n3A_594 : i32
      %ne3A_596 = arith.constant 0 : i32
      %ne3A_597 = arith.cmpi ne, %rem3A_595, %ne3A_596 : i32
      %lt3A_598 = arith.constant 0 : i32
      %lt3A_599 = arith.cmpi slt, %rem3A_595, %lt3A_598 : i32
      %lt3A_600 = arith.constant 0 : i32
      %lt3A_601 = arith.cmpi slt, %select_n3A_594, %lt3A_600 : i32
      %ne3A_602 = arith.xori %lt3A_599, %lt3A_601 : i1
      %and3A_603 = arith.andi %ne3A_602, %ne3A_597 : i1
      %add3A_604 = arith.addi %rem3A_595, %select_n3A_594 : i32
      %select_n3A_605 = arith.select %and3A_603, %add3A_604, %rem3A_595 : i32
      %jit3A_606 = arith.constant 16 : i32
      %eq3A_607 = arith.constant 0 : i32
      %eq3A_608 = arith.cmpi eq, %jit3A_606, %eq3A_607 : i32
      %jit3A_609 = arith.constant 1 : i32
      %select_n3A_610 = arith.select %eq3A_608, %jit3A_609, %jit3A_606 : i32
      %rem3A_611 = arith.remsi %add3A_465, %select_n3A_610 : i32
      %ne3A_612 = arith.constant 0 : i32
      %ne3A_613 = arith.cmpi ne, %rem3A_611, %ne3A_612 : i32
      %lt3A_614 = arith.constant 0 : i32
      %lt3A_615 = arith.cmpi slt, %rem3A_611, %lt3A_614 : i32
      %lt3A_616 = arith.constant 0 : i32
      %lt3A_617 = arith.cmpi slt, %select_n3A_610, %lt3A_616 : i32
      %ne3A_618 = arith.xori %lt3A_615, %lt3A_617 : i1
      %and3A_619 = arith.andi %ne3A_618, %ne3A_613 : i1
      %add3A_620 = arith.addi %rem3A_611, %select_n3A_610 : i32
      %select_n3A_621 = arith.select %and3A_619, %add3A_620, %rem3A_611 : i32
      %mul3A_622 = arith.constant 2 : i32
      %mul3A_623 = arith.muli %mul3A_622, %select_n3A_621 : i32
      %jit3A_624 = arith.constant 8 : i32
      %div3A_625 = arith.divsi %mul3A_623, %jit3A_624 : i32
      %sign3A_626 = arith.constant 0 : i32
      %sign3A_627 = arith.cmpi sgt, %mul3A_623, %sign3A_626 : i32
      %sign3A_628 = arith.extui %sign3A_627 : i1 to i32
      %sign3A_629 = arith.constant 0 : i32
      %sign3A_630 = arith.cmpi slt, %mul3A_623, %sign3A_629 : i32
      %sign3A_631 = arith.extui %sign3A_630 : i1 to i32
      %sign3A_632 = arith.subi %sign3A_628, %sign3A_631 : i32
      %sign3A_633 = arith.constant 0 : i32
      %sign3A_634 = arith.cmpi sgt, %jit3A_624, %sign3A_633 : i32
      %sign3A_635 = arith.extui %sign3A_634 : i1 to i32
      %sign3A_636 = arith.constant 0 : i32
      %sign3A_637 = arith.cmpi slt, %jit3A_624, %sign3A_636 : i32
      %sign3A_638 = arith.extui %sign3A_637 : i1 to i32
      %sign3A_639 = arith.subi %sign3A_635, %sign3A_638 : i32
      %ne3A_640 = arith.cmpi ne, %sign3A_632, %sign3A_639 : i32
      %rem3A_641 = arith.remsi %mul3A_623, %jit3A_624 : i32
      %ne3A_642 = arith.constant 0 : i32
      %ne3A_643 = arith.cmpi ne, %rem3A_641, %ne3A_642 : i32
      %and3A_644 = arith.andi %ne3A_640, %ne3A_643 : i1
      %sub3A_645 = arith.constant 1 : i32
      %sub3A_646 = arith.subi %div3A_625, %sub3A_645 : i32
      %select_n3A_647 = arith.select %and3A_644, %sub3A_646, %div3A_625 : i32
      %jit3A_648 = arith.constant 8 : i32
      %eq3A_649 = arith.constant 0 : i32
      %eq3A_650 = arith.cmpi eq, %jit3A_648, %eq3A_649 : i32
      %jit3A_651 = arith.constant 1 : i32
      %select_n3A_652 = arith.select %eq3A_650, %jit3A_651, %jit3A_648 : i32
      %rem3A_653 = arith.remsi %mul3A_623, %select_n3A_652 : i32
      %ne3A_654 = arith.constant 0 : i32
      %ne3A_655 = arith.cmpi ne, %rem3A_653, %ne3A_654 : i32
      %lt3A_656 = arith.constant 0 : i32
      %lt3A_657 = arith.cmpi slt, %rem3A_653, %lt3A_656 : i32
      %lt3A_658 = arith.constant 0 : i32
      %lt3A_659 = arith.cmpi slt, %select_n3A_652, %lt3A_658 : i32
      %ne3A_660 = arith.xori %lt3A_657, %lt3A_659 : i1
      %and3A_661 = arith.andi %ne3A_660, %ne3A_655 : i1
      %add3A_662 = arith.addi %rem3A_653, %select_n3A_652 : i32
      %select_n3A_663 = arith.select %and3A_661, %add3A_662, %rem3A_653 : i32
      %mul3A_664 = arith.constant 16 : i32
      %mul3A_665 = arith.muli %select_n3A_663, %mul3A_664 : i32
      %dma_start3A_666 = arith.constant 0 : i32
      %dma_start3A_667 = arith.constant 0 : i32
      %dma_start3A_668 = tpu.memref_slice %arg4[%select_n3A_589, %select_n3A_605, %dma_start3A_666, %select_n3A_647, %dma_start3A_667, %mul3A_665] : memref<2x32x125x4x8x128xf32, #tpu.memory_space<hbm>> -> memref<1x1x125x1x8x32xf32, #tpu.memory_space<hbm>>
      %dma_start3A_669 = tpu.memref_squeeze %dma_start3A_668 : memref<1x1x125x1x8x32xf32, #tpu.memory_space<hbm>> -> memref<125x8x32xf32, #tpu.memory_space<hbm>>
      %dma_start3A_670 = arith.constant 0 : i32
      %dma_start3A_671 = arith.constant 0 : i32
      %dma_start3A_672 = tpu.memref_slice %arg4[%select_n3A_589, %select_n3A_605, %dma_start3A_670, %select_n3A_647, %dma_start3A_671, %mul3A_665] : memref<2x32x125x4x8x128xf32, #tpu.memory_space<hbm>> -> memref<1x1x125x1x8x32xf32, #tpu.memory_space<hbm>>
      %dma_start3A_673 = tpu.memref_squeeze %dma_start3A_672 : memref<1x1x125x1x8x32xf32, #tpu.memory_space<hbm>> -> memref<125x8x32xf32, #tpu.memory_space<hbm>>
      tpu.enqueue_dma source(%arg9 : memref<125x8x32xf32, #tpu.memory_space<vmem>>) target(%dma_start3A_673 : memref<125x8x32xf32, #tpu.memory_space<hbm>>) target_semaphore(%arg15 : memref<!tpu.dma_semaphore, #tpu.memory_space<semaphore_mem>>)
    }
    %scan3A_139 = arith.constant 16 : i32
    %add3A_140 = arith.constant 32 : i32
    %add3A_141 = arith.addi %add3A, %add3A_140 : i32
    %jit3A_142 = arith.constant false
    %select_n3A_143 = arith.select %jit3A_142, %add3A, %add3A_141 : i32
    %jit3A_144 = arith.constant 32 : i32
    %div3A_145 = arith.divsi %select_n3A_143, %jit3A_144 : i32
    %sign3A_146 = arith.constant 0 : i32
    %sign3A_147 = arith.cmpi sgt, %select_n3A_143, %sign3A_146 : i32
    %sign3A_148 = arith.extui %sign3A_147 : i1 to i32
    %sign3A_149 = arith.constant 0 : i32
    %sign3A_150 = arith.cmpi slt, %select_n3A_143, %sign3A_149 : i32
    %sign3A_151 = arith.extui %sign3A_150 : i1 to i32
    %sign3A_152 = arith.subi %sign3A_148, %sign3A_151 : i32
    %sign3A_153 = arith.constant 0 : i32
    %sign3A_154 = arith.cmpi sgt, %jit3A_144, %sign3A_153 : i32
    %sign3A_155 = arith.extui %sign3A_154 : i1 to i32
    %sign3A_156 = arith.constant 0 : i32
    %sign3A_157 = arith.cmpi slt, %jit3A_144, %sign3A_156 : i32
    %sign3A_158 = arith.extui %sign3A_157 : i1 to i32
    %sign3A_159 = arith.subi %sign3A_155, %sign3A_158 : i32
    %ne3A_160 = arith.cmpi ne, %sign3A_152, %sign3A_159 : i32
    %rem3A_161 = arith.remsi %select_n3A_143, %jit3A_144 : i32
    %ne3A_162 = arith.constant 0 : i32
    %ne3A_163 = arith.cmpi ne, %rem3A_161, %ne3A_162 : i32
    %and3A_164 = arith.andi %ne3A_160, %ne3A_163 : i1
    %sub3A_165 = arith.constant 1 : i32
    %sub3A_166 = arith.subi %div3A_145, %sub3A_165 : i32
    %select_n3A_167 = arith.select %and3A_164, %sub3A_166, %div3A_145 : i32
    %jit3A_168 = arith.constant 32 : i32
    %eq3A_169 = arith.constant 0 : i32
    %eq3A_170 = arith.cmpi eq, %jit3A_168, %eq3A_169 : i32
    %jit3A_171 = arith.constant 1 : i32
    %select_n3A_172 = arith.select %eq3A_170, %jit3A_171, %jit3A_168 : i32
    %rem3A_173 = arith.remsi %select_n3A_143, %select_n3A_172 : i32
    %ne3A_174 = arith.constant 0 : i32
    %ne3A_175 = arith.cmpi ne, %rem3A_173, %ne3A_174 : i32
    %lt3A_176 = arith.constant 0 : i32
    %lt3A_177 = arith.cmpi slt, %rem3A_173, %lt3A_176 : i32
    %lt3A_178 = arith.constant 0 : i32
    %lt3A_179 = arith.cmpi slt, %select_n3A_172, %lt3A_178 : i32
    %ne3A_180 = arith.xori %lt3A_177, %lt3A_179 : i1
    %and3A_181 = arith.andi %ne3A_180, %ne3A_175 : i1
    %add3A_182 = arith.addi %rem3A_173, %select_n3A_172 : i32
    %select_n3A_183 = arith.select %and3A_181, %add3A_182, %rem3A_173 : i32
    %dma_wait3A = arith.constant 3 : i32
    %dma_wait3A_184 = arith.constant 0 : i32
    %dma_wait3A_185 = arith.constant 0 : i32
    %dma_wait3A_186 = arith.constant 64 : i32
    %dma_wait3A_187 = tpu.memref_slice %arg4[%select_n3A_167, %select_n3A_183, %dma_wait3A_184, %dma_wait3A, %dma_wait3A_185, %dma_wait3A_186] : memref<2x32x125x4x8x128xf32, #tpu.memory_space<hbm>> -> memref<1x1x125x1x8x32xf32, #tpu.memory_space<hbm>>
    %dma_wait3A_188 = tpu.memref_squeeze %dma_wait3A_187 : memref<1x1x125x1x8x32xf32, #tpu.memory_space<hbm>> -> memref<125x8x32xf32, #tpu.memory_space<hbm>>
    %dma_wait3A_189 = arith.constant 0 : i32
    %dma_wait3A_190 = arith.constant 0 : i32
    %dma_wait3A_191 = arith.constant 64 : i32
    %dma_wait3A_192 = tpu.memref_slice %arg4[%select_n3A_167, %select_n3A_183, %dma_wait3A_189, %dma_wait3A, %dma_wait3A_190, %dma_wait3A_191] : memref<2x32x125x4x8x128xf32, #tpu.memory_space<hbm>> -> memref<1x1x125x1x8x32xf32, #tpu.memory_space<hbm>>
    %dma_wait3A_193 = tpu.memref_squeeze %dma_wait3A_192 : memref<1x1x125x1x8x32xf32, #tpu.memory_space<hbm>> -> memref<125x8x32xf32, #tpu.memory_space<hbm>>
    tpu.wait_dma2 semaphore(%arg14 : memref<!tpu.dma_semaphore, #tpu.memory_space<semaphore_mem>>) src(%arg8 : memref<125x8x32xf32, #tpu.memory_space<vmem>>) dst(%dma_wait3A_193 : memref<125x8x32xf32, #tpu.memory_space<hbm>>)
    %add3A_194 = arith.constant 32 : i32
    %add3A_195 = arith.addi %add3A, %add3A_194 : i32
    %jit3A_196 = arith.constant false
    %select_n3A_197 = arith.select %jit3A_196, %add3A, %add3A_195 : i32
    %jit3A_198 = arith.constant 32 : i32
    %div3A_199 = arith.divsi %select_n3A_197, %jit3A_198 : i32
    %sign3A_200 = arith.constant 0 : i32
    %sign3A_201 = arith.cmpi sgt, %select_n3A_197, %sign3A_200 : i32
    %sign3A_202 = arith.extui %sign3A_201 : i1 to i32
    %sign3A_203 = arith.constant 0 : i32
    %sign3A_204 = arith.cmpi slt, %select_n3A_197, %sign3A_203 : i32
    %sign3A_205 = arith.extui %sign3A_204 : i1 to i32
    %sign3A_206 = arith.subi %sign3A_202, %sign3A_205 : i32
    %sign3A_207 = arith.constant 0 : i32
    %sign3A_208 = arith.cmpi sgt, %jit3A_198, %sign3A_207 : i32
    %sign3A_209 = arith.extui %sign3A_208 : i1 to i32
    %sign3A_210 = arith.constant 0 : i32
    %sign3A_211 = arith.cmpi slt, %jit3A_198, %sign3A_210 : i32
    %sign3A_212 = arith.extui %sign3A_211 : i1 to i32
    %sign3A_213 = arith.subi %sign3A_209, %sign3A_212 : i32
    %ne3A_214 = arith.cmpi ne, %sign3A_206, %sign3A_213 : i32
    %rem3A_215 = arith.remsi %select_n3A_197, %jit3A_198 : i32
    %ne3A_216 = arith.constant 0 : i32
    %ne3A_217 = arith.cmpi ne, %rem3A_215, %ne3A_216 : i32
    %and3A_218 = arith.andi %ne3A_214, %ne3A_217 : i1
    %sub3A_219 = arith.constant 1 : i32
    %sub3A_220 = arith.subi %div3A_199, %sub3A_219 : i32
    %select_n3A_221 = arith.select %and3A_218, %sub3A_220, %div3A_199 : i32
    %jit3A_222 = arith.constant 32 : i32
    %eq3A_223 = arith.constant 0 : i32
    %eq3A_224 = arith.cmpi eq, %jit3A_222, %eq3A_223 : i32
    %jit3A_225 = arith.constant 1 : i32
    %select_n3A_226 = arith.select %eq3A_224, %jit3A_225, %jit3A_222 : i32
    %rem3A_227 = arith.remsi %select_n3A_197, %select_n3A_226 : i32
    %ne3A_228 = arith.constant 0 : i32
    %ne3A_229 = arith.cmpi ne, %rem3A_227, %ne3A_228 : i32
    %lt3A_230 = arith.constant 0 : i32
    %lt3A_231 = arith.cmpi slt, %rem3A_227, %lt3A_230 : i32
    %lt3A_232 = arith.constant 0 : i32
    %lt3A_233 = arith.cmpi slt, %select_n3A_226, %lt3A_232 : i32
    %ne3A_234 = arith.xori %lt3A_231, %lt3A_233 : i1
    %and3A_235 = arith.andi %ne3A_234, %ne3A_229 : i1
    %add3A_236 = arith.addi %rem3A_227, %select_n3A_226 : i32
    %select_n3A_237 = arith.select %and3A_235, %add3A_236, %rem3A_227 : i32
    %dma_wait3A_238 = arith.constant 3 : i32
    %dma_wait3A_239 = arith.constant 0 : i32
    %dma_wait3A_240 = arith.constant 0 : i32
    %dma_wait3A_241 = arith.constant 96 : i32
    %dma_wait3A_242 = tpu.memref_slice %arg4[%select_n3A_221, %select_n3A_237, %dma_wait3A_239, %dma_wait3A_238, %dma_wait3A_240, %dma_wait3A_241] : memref<2x32x125x4x8x128xf32, #tpu.memory_space<hbm>> -> memref<1x1x125x1x8x32xf32, #tpu.memory_space<hbm>>
    %dma_wait3A_243 = tpu.memref_squeeze %dma_wait3A_242 : memref<1x1x125x1x8x32xf32, #tpu.memory_space<hbm>> -> memref<125x8x32xf32, #tpu.memory_space<hbm>>
    %dma_wait3A_244 = arith.constant 0 : i32
    %dma_wait3A_245 = arith.constant 0 : i32
    %dma_wait3A_246 = arith.constant 96 : i32
    %dma_wait3A_247 = tpu.memref_slice %arg4[%select_n3A_221, %select_n3A_237, %dma_wait3A_244, %dma_wait3A_238, %dma_wait3A_245, %dma_wait3A_246] : memref<2x32x125x4x8x128xf32, #tpu.memory_space<hbm>> -> memref<1x1x125x1x8x32xf32, #tpu.memory_space<hbm>>
    %dma_wait3A_248 = tpu.memref_squeeze %dma_wait3A_247 : memref<1x1x125x1x8x32xf32, #tpu.memory_space<hbm>> -> memref<125x8x32xf32, #tpu.memory_space<hbm>>
    tpu.wait_dma2 semaphore(%arg15 : memref<!tpu.dma_semaphore, #tpu.memory_space<semaphore_mem>>) src(%arg9 : memref<125x8x32xf32, #tpu.memory_space<vmem>>) dst(%dma_wait3A_248 : memref<125x8x32xf32, #tpu.memory_space<hbm>>)
    return
  }
}

</mosaic_0001>

<sc_bundles>
// kernel: kernel.3.cloned.1.call-start
scs
__scs_entry_jumppad:
0x0: {  	(pc) =	sbr.rel $0x88, $3  }
0x1: {  	(tag) =	ssettag $0x0;
	lr =	simm.s32 $0x1  }
0x2: {  	[smem:$0x3F9F] =	sst lr;
	_ =	strace $0xD0000000  }
0x3: {  	_ = 	snop  }
0x4: {  	_ = 	snop  }
0x5: {  	_ = 	snop  }
0x6: {  	_ = 	snop  }
0x7: {  	_ = 	snop  }
__scs_overlays_trampoline_lowered:
0x8: {  	[smem:$0x3FAE] =	sst s0  }
0x9: {  	[smem:$0x3FAF] =	sst s1  }
0xa: {  	[smem:$0x3FB0] =	sst s2  }
0xb: {  	[smem:$0x3FB1] =	sst s3  }
0xc: {  	[smem:$0x3FB2] =	sst s4  }
0xd: {  	[smem:$0x3FB3] =	sst s5  }
0xe: {  	[smem:$0x3FB4] =	sst s6  }
0xf: {  	[smem:$0x3FB5] =	sst s7  }
0x10: {  	[smem:$0x3FB6] =	sst s8  }
0x11: {  	[smem:$0x3FB7] =	sst s9;
	s0 =	simm.s32 @!p0 $0x0  }
0x12: {  	s1 =	sld [smem:$0x3F9D];
	s0 =	simm.s32 @p0 $0x1  }
0x13: {  	[smem:$0x3FB8] =	sst s0;
	s0 =	simm.s32 @!p1 $0x0  }
0x14: {  	s2 =	sld [smem:$0x3F9C];
	s0 =	simm.s32 @p1 $0x1  }
0x15: {  	[smem:$0x3FB9] =	sst s0;
	s0 =	simm.s32 @!p2 $0x0  }
0x16: {  	s3 =	sld [smem:$0x3FDB];
	s0 =	simm.s32 @p2 $0x1  }
0x17: {  	s4 =	simm.s32 $0x1BF5;
	[smem:$0x3FBB] =	sst s0  }
0x18: {  	s0 =	sld [smem:$0x3F9E];
	_ =	swait.ge [sflag:s4], $0x0  }
0x19: {  	s7 =	sld [smem:$0x3F9F]  }
0x1a: {  	s8 =	sadd.s32 $0xFFFFE003, lr  }
0x1b: {  	s9 =	sadd.s32 $0xFFFFFEF7, lr;
	s5 =	simm.s32 $0xFFFFFFFF;
	p2 =	slt.u32 s8, $0xFFFFF086  }
0x1c: {  	p1 =	slt.u32 s9, $0xF7A;
	s5 =	simm.s32 @!p2 $0x0  }
0x1d: {  	s5 =	simm.s32 @p1 $0x1;
	p0 =	seq.s32 s7, s2  }
0x1e: {  	s7 =	smul.u32 @!p0 $0xF7A, s2;
	p2 =	seq.s32 @!p0 s5, $0x0  }
0x1f: {  	s9 =	smul.u32 $0xF7A, s1;
	s8 =	simm.s32 @!p0 $0x1BF5;
	p2 =	por !p2, p0  }
0x20: {  	[sflag:s8] =	ssyncset.s32 @!p0 $0xFFFFF086;
	s6 =	sadd.s32 @!p0 s3, s7;
	s7 =	simm.s32 @!p0 $0x108  }
0x21: {  	s3 =	sadd.s32 s3, s9;
	s6 =	sadd.s32 @!p0 $0x88, s6;
	s7 =	simm.s32 @p2 $0x1082  }
0x22: {  	[simem:s7], [sflag:s8] =	dma.local @!p0 [hbm:s6], $0xF7A  }
0x23: {  	s9 =	sor.u32 $0xD0000000, s2;
	s6 =	simm.s32 $0x108;
	_ =	swait.ge @!p0 [sflag:s8], $0x0  }
0x24: {  	s3 =	sadd.s32 $0x88, s3;
	s6 =	simm.s32 @!p1 $0x1082;
	[sflag:s4] =	ssyncset.s32 $0xFFFFF086  }
0x25: {  	[simem:s6], [sflag:s4] =	dma.local [hbm:s3], $0xF7A  }
0x26: {  	[smem:$0x3F9F] =	sst s1;
	(tag) =	ssettag s2;
	_ =	strace s9  }
0x27: {  	s1 =	sld [smem:$0x3FAF]  }
0x28: {  	s2 =	sld [smem:$0x3FB0]  }
0x29: {  	s4 =	sld [smem:$0x3FB2]  }
0x2a: {  	p0 =	seq.s32 s5, $0x0;
	s5 =	sld [smem:$0x3FB3]  }
0x2b: {  	s6 =	sld [smem:$0x3FB4]  }
0x2c: {  	s7 =	sld [smem:$0x3FB5]  }
0x2d: {  	s3 =	simm.s32 $0x108;
	s8 =	sld [smem:$0x3FB6]  }
0x2e: {  	s3 =	simm.s32 @!p0 $0x1082;
	s9 =	sld [smem:$0x3FB7]  }
0x2f: {  	lr =	sadd.s32 s0, s3;
	s0 =	sld [smem:$0x3FAE]  }
0x30: {  	s3 =	sld [smem:$0x3FB1]  }
0x31: {  	[smem:$0x3FBA] =	sst s10  }
0x32: {  	s10 =	sld [smem:$0x3FB8];
	_ =	sdelay $0x3  }
0x33: {  	p0 =	seq.s32 s10, $0x1;
	s10 =	sld [smem:$0x3FBA];
	_ =	sdelay $0x3  }
0x34: {  	[smem:$0x3FBA] =	sst s10  }
0x35: {  	s10 =	sld [smem:$0x3FB9];
	_ =	sdelay $0x3  }
0x36: {  	p1 =	seq.s32 s10, $0x1;
	s10 =	sld [smem:$0x3FBA];
	_ =	sdelay $0x3  }
0x37: {  	[smem:$0x3FBA] =	sst s10  }
0x38: {  	s10 =	sld [smem:$0x3FBB]  }
0x39: {  	_ = 	snop;
	(pc) =	sbr.ind lr, $3  }
0x3a: {  	_ = 	snop  }
0x3b: {  	_ = 	snop  }
0x3c: {  	p2 =	seq.s32 s10, $0x1;
	s10 =	sld [smem:$0x3FBA]  }
0x3d: {  	_ =	shalt  }
0x3e: {  	_ =	shalt  }
0x3f: {  	_ =	shalt  }
0x40: {  	_ =	shalt  }
0x41: {  	_ =	shalt  }
0x42: {  	_ =	shalt  }
0x43: {  	_ =	shalt  }
0x44: {  	_ =	shalt  }
0x45: {  	_ =	shalt  }
0x46: {  	_ =	shalt  }
0x47: {  	_ =	shalt  }
0x48: {  	_ =	shalt  }
0x49: {  	_ =	shalt  }
0x4a: {  	_ =	shalt  }
0x4b: {  	_ =	shalt  }
0x4c: {  	_ =	shalt  }
0x4d: {  	_ =	shalt  }
0x4e: {  	_ =	shalt  }
0x4f: {  	_ =	shalt  }
0x50: {  	_ =	shalt  }
0x51: {  	_ =	shalt  }
0x52: {  	_ =	shalt  }
0x53: {  	_ =	shalt  }
0x54: {  	_ =	shalt  }
0x55: {  	_ =	shalt  }
0x56: {  	_ =	shalt  }
0x57: {  	_ =	shalt  }
0x58: {  	_ =	shalt  }
0x59: {  	_ =	shalt  }
0x5a: {  	_ =	shalt  }
0x5b: {  	_ =	shalt  }
0x5c: {  	_ =	shalt  }
0x5d: {  	_ =	shalt  }
0x5e: {  	_ =	shalt  }
0x5f: {  	_ =	shalt  }
0x60: {  	_ =	shalt  }
0x61: {  	_ =	shalt  }
0x62: {  	_ =	shalt  }
0x63: {  	_ =	shalt  }
0x64: {  	_ =	shalt  }
0x65: {  	_ =	shalt  }
0x66: {  	_ =	shalt  }
0x67: {  	_ =	shalt  }
0x68: {  	_ =	shalt  }
0x69: {  	_ =	shalt  }
0x6a: {  	_ =	shalt  }
0x6b: {  	_ =	shalt  }
0x6c: {  	_ =	shalt  }
0x6d: {  	_ =	shalt  }
0x6e: {  	_ =	shalt  }
0x6f: {  	_ =	shalt  }
0x70: {  	_ =	shalt  }
0x71: {  	_ =	shalt  }
0x72: {  	_ =	shalt  }
0x73: {  	_ =	shalt  }
0x74: {  	_ =	shalt  }
0x75: {  	_ =	shalt  }
0x76: {  	_ =	shalt  }
0x77: {  	_ =	shalt  }
0x78: {  	_ =	shalt  }
0x79: {  	_ =	shalt  }
0x7a: {  	_ =	shalt  }
0x7b: {  	_ =	shalt  }
0x7c: {  	_ =	shalt  }
0x7d: {  	_ =	shalt  }
0x7e: {  	_ =	shalt  }
0x7f: {  	_ =	shalt  }
0x80: {  	_ =	shalt  }
0x81: {  	_ =	shalt  }
0x82: {  	_ =	shalt  }
0x83: {  	_ =	shalt  }
0x84: {  	_ =	shalt  }
0x85: {  	_ =	shalt  }
0x86: {  	_ =	shalt  }
0x87: {  	_ =	shalt  }
.Lfunc_end0:
.L_simem_size_0:
called_computation_lowered:
.L_overlay_start_0:
0x88: {  	s2 =	sld [smem:$0x3FD9]  }
0x89: {  	s3 =	sld [smem:$0x3FFE];
	_ =	sdelay $0x1  }
0x8a: {  	s1 =	srdreg.scid  }
0x8b: {  	s0 =	sand.u32 $0x1, s1  }
0x8c: {  	s14 =	sshll.u32 s0, $0xA;
	s2 =	sadd.s32 s3, s2  }
0x8d: {  	s2 =	sadd.s32 s2, s14  }
0x8e: {  	[smem:$0x3FC6] =	sst s2  }
0x8f: {  	_ = 	snop  }
0x90: {  	s2 =	sld [smem:$0x3FD0];
	_ =	sdelay $0x2  }
0x91: {  	s4 =	simm.s32 $0xA;
	s5 =	simm.s32 $0x10;
	s15 =	sld [smem:$0x3FC8]  }
0x92: {  	[smem:s5], [sflag:s4] =	dma.local [hbm:s2], $0x1  }
0x93: {  	_ =	swait.eq [sflag:s4], $0x1  }
0x94: {  	[sflag:s4] =	ssyncset.done $0x0  }
0x95: {  	s16 =	sld [smem:$0x10];
	[sflag:s4] =	ssyncadd.s32 $0xFFFFFFFF  }
0x96: {  	s17 =	sld [smem:$0x11];
	(tm) =	ssettm $0x1  }
0x97: {  	s18 =	sld [smem:$0x3FFB];
	_ =	sdelay $0x3  }
0x98: {  	_ =	strace s18  }
0x99: {  	s5 =	sld [smem:$0x3FFC];
	_ =	sdelay $0x3  }
0x9a: {  	_ =	strace s5  }
0x9b: {  	s5 =	sld [smem:$0x3FFD];
	_ =	sdelay $0x3  }
0x9c: {  	_ =	strace s5  }
0x9d: {  	_ =	strace $0x8FFFFFFF  }
0x9e: {  	s19 =	sld [smem:$0x3FDB];
	_ =	sdelay $0x1  }
0x9f: {  	s6 =	simm.s32 $_scs_section_size  }
0xa0: {  	s7 =	simm.s32 $_size__tile_overlayer_lowered;
	s8 =	simm.s32 $_tile_overlayer_lowered  }
0xa1: {  	s22 =	simm.s32 $0x1BFF;
	s21 =	sshll.u32 s8, $0x1;
	s5 =	sadd.s32 s6, s19  }
0xa2: {  	s9 =	simm.s32 $0x0;
	s20 =	sshll.u32 s7, $0x1;
	s7 =	sadd.s32 s21, s5  }
0xa3: {  	[timem:s9], [sflag:s22] =	dma.local [hbm:s7], s20  }
0xa4: {  	_ =	swait.ge [sflag:s22], s20  }
0xa5: {  	s6 =	ssub.s32 $0x0, s20;
	[sflag:s22] =	ssyncset.done $0x0  }
0xa6: {  	[sflag:s22] =	ssyncadd.s32 s6;
	_ =	sdelay $0x1  }
0xa7: {  	s23 =	simm.s32 $0x1B8B  }
0xa8: {  	_ =	swait.ge [sflag:s23], $0x1  }
0xa9: {  	[sflag:s23] =	ssyncset.done $0x0  }
0xaa: {  	s25 =	simm.s32 $0x1B8E;
	s24 =	sld [smem:$0x3FFE];
	[sflag:s23] =	ssyncadd.s32 $0xFFFFFFFF  }
0xab: {  	s26 =	simm.s32 $execute0_lowered;
	[smem:$0x3FD2] =	sst s25  }
0xac: {  	s7 =	sshll.u32 s26, $0x1;
	_ =	strace $0x80000046;
	[dreg:$0x1] =	wrdreg $0xFFFFFFFF  }
0xad: {  	s28 =	simm.s32 $_size_execute0_lowered;
	s5 =	sadd.s32 s5, s7;
	[dreg:$0x0] =	wrdreg $0x0  }
0xae: {  	s7 =	sshll.u32 s28, $0x1;
	[dreg:$0x2] =	wrdreg s5  }
0xaf: {  	[dreg:$0x3] =	wrdreg s7  }
0xb0: {  	[dreg:$0x4] =	wrdreg $0xC0  }
0xb1: {  	_ =	task [dreg:s9], $0x5FFFF  }
0xb2: {  	[dreg:$0x1] =	wrdreg $0xFFFFFFFF  }
0xb3: {  	[dreg:$0x0] =	wrdreg $0x60  }
0xb4: {  	[dreg:$0x2] =	wrdreg s24  }
0xb5: {  	[dreg:$0x3] =	wrdreg s15  }
0xb6: {  	[dreg:$0x4] =	wrdreg s16  }
0xb7: {  	[dreg:$0x5] =	wrdreg s17  }
0xb8: {  	[dreg:$0x6] =	wrdreg $0x9  }
0xb9: {  	_ =	task.clear_ibuf [dreg:s9], $0x7FFFF;
	_ =	strace $0x90000046  }
0xba: {  	s29 =	simm.s32 $0x9;
	_ =	strace $0x80000048  }
0xbb: {  	_ =	swait.ge [sflag:s29], $0x1  }
0xbc: {  	[sflag:s29] =	ssyncadd.s32 $0xFFFFFFFF  }
0xbd: {  	_ =	strace $0x90000048  }
0xbe: {  	_ =	sfence  }
0xbf: {  	s30 =	sld [smem:$0x0];
	_ =	sdelay $0x2  }
0xc0: {  	s31 =	sshll.u32 s1, $0xD;
	s1 =	sshrl.u32 s1, $0x2  }
0xc1: {  	s3 =	sand.u32 $0x4000, s31;
	s1 =	sadd.s32 s1, s30  }
0xc2: {  	s0 =	sor.u32 s3, s0;
	s1 =	sshll.u32 s1, $0x11  }
0xc3: {  	s0 =	sor.u32 s1, s0  }
0xc4: {  	s0 =	sadd.s32 $0x8F2B, s0  }
0xc5: {  	[sflag:s0] =	ssyncadd.remote.s32 $0x1  }
0xc6: {  	_ =	sfence.sel $0xFFFF  }
0xc7: {  	[dreg:$0x0] =	wrdreg $0xFFFFFFFF;
	(pc) =	sbr.abs _section_cstart, $3  }
0xc8: {  	[dreg:$0x1] =	wrdreg $0xFFFFFFFF  }
0xc9: {  	_ =	task.clear_ibuf [dreg:s9], $0x2FFFF;
	_ =	strace $0x9FFFFFFF  }
0xca: {  	(tm) =	ssettm $0x7FFFFFFF  }
0xcb: {  	_ =	shalt  }
tec
execute0_lowered:
.L_overlay_start_1:
0x0: {  	(tag) =	ssettag $0x1  }
0x1: {  	s0 =	rddreg [dreg:$0x0];
	v1 =	vlaneseq.u32  }
0x2: {  	s2 =	rddreg [dreg:$0x2];
	s10 =	stileid.u32;
	v0 =	vmul.u32 $0xC8, v1  }
0x3: {  	s1 =	rddreg [dreg:$0x3];
	s3 =	simm.s32 $0x0;
	s4 =	srdreg.scid;
	v2 =	vmov s10  }
0x4: {  	s12 =	simm.s32 $0x5;
	s13 =	simm.s32 $0x13880;
	[smem:$0x7FF] =	sst s3;
	vm0 =	veq.s32 v2, v1;
	v1 =	vadd.s32 $0x3E1, v0  }
0x5: {  	s15 =	simm.s32 $0xFA0;
	s16 =	simm.s32 $0x3E800;
	_ =	strace $0x80000047;
	[tilespmem:$0x1FF70] =	vst v1;
	v1 =	vadd.s32 $0x3E2, v0  }
0x6: {  	s17 =	simm.s32 $0x1;
	s18 =	simm.s32 $0x1F40;
	s19 =	simm.s32 $0x20;
	[tilespmem:$0x1FF80] =	vst v1;
	v1 =	vadd.s32 $0x3E3, v0  }
0x7: {  	s20 =	simm.s32 $0x80;
	s21 =	simm.s32 $0x2;
	s22 =	simm.s32 $0x3;
	[tilespmem:$0x1FF90] =	vst v1;
	v1 =	vadd.s32 $0x3E4, v0  }
0x8: {  	s23 =	simm.s32 $0x4;
	s24 =	simm.s32 $0x0;
	s4 =	sand.u32 $0x1, s4;
	[tilespmem:$0x1FFA0] =	vst v1;
	v1 =	vadd.s32 $0x3E5, v0  }
0x9: {  	s5 =	sadd.s32 $0x800, s0;
	s6 =	sshll.u32 s4, $0x4;
	s31 =	ssub.s32 $0x2, s4;
	[tilespmem:$0x1FFB0] =	vst v1;
	v1 =	vadd.s32 $0x3E6, v0  }
0xa: {  	p0 =	seq.s32 s4, $0x0;
	s6 =	sor.u32 s10, s6;
	s7 =	sshrl.u32 s31, $0x1;
	v63 =	vadd.s32 $0x3E0, v0;
	[tilespmem:$0x1FFC0] =	vst v1;
	v1 =	vadd.s32 $0x3E7, v0  }
0xb: {  	v9 =	vadd.s32 $0xFA0, v0;
	v12 =	vadd.s32 $0x1382, v0;
	s8 =	sshll.u32 s6, $0x1;
	s9 =	smul.u32 $0x1F4, s6;
	s0 =	ssub.s32 s31, s7;
	[tilespmem:$0x1FFD0] =	vst v1;
	v1 =	vadd.s32 $0x1380, v0  }
0xc: {  	s13 =	simm.s32 @!p0 $0x13890;
	v13 =	vadd.s32 $0x1383, v0;
	v14 =	vadd.s32 $0x1384, v0;
	s1 =	sadd.s32 s1, s8;
	s10 =	smax.u32 s0, $0x1;
	[tilespmem:$0x1FFE0] =	vst v1;
	v1 =	vadd.s32 $0x1381, v0  }
0xd: {  	v15 =	vadd.s32 $0x1385, v0;
	v16 =	vadd.s32 $0x1386, v0;
	v17 =	vadd.s32 $0x1387, v0;
	[dreg:$0x5] =	wrdreg s1;
	s8 =	sadd.s32 s5, s9;
	s9 =	sor.u32 $0x20, s6;
	[tilespmem:$0x1FFF0] =	vst v1  }
.LBB2_1:
0xe: {  	s0 =	rddreg [dreg:$0x1];
	s1 =	simm.s32 $0x13880  }
0xf: {  	[tilespmem:s1], [sflag:$0x5] =	stream.linear.gather [hbm4b:s0+s3], $0x20, $0x38;
	[tilespmem:$0x138B0] =	vst v63  }
0x10: {  	_ =	swait.ge [sflag:s12], $0x20  }
0x11: {  	[sflag:s12] =	ssyncset.done $0x0  }
0x12: {  	[sflag:s12] =	ssyncadd.s32 $0xFFFFFFE0  }
0x13: {  	v18 =	vld [tilespmem:s13+$0x0];
	_ =	sdelay $0x4  }
0x14: {  	v18 =	vnsel vm0, $0x0, v18  }
0x15: {  	(xrf2) =	vadd.scan.msk.f32 $0xffff, v18;
	_ =	sdelay $0x9  }
0x16: {  	v18, _, _ =	vpop (xrf2)  }
0x17: {  	v18 =	vadd.f32 $0.0e+00, v18;
	_ =	sdelay $0x1  }
0x18: {  	v18 =	vbroadcast v18, $0xF;
	_ =	sdelay $0x1  }
0x19: {  	s31 =	simm.s32 $0x138A0;
	s30 =	rddreg [dreg:$0x5];
	[tilespmem:$0x138A0] =	vst v18  }
0x1a: {  	[hbm4b:s30+s3] =	stream.linear.scatter [tilespmem:s31], [sflag:$0x5], $0x10, $0x38;
	[tilespmem:$0x138B0] =	vst v63  }
0x1b: {  	_ =	swait.ge [sflag:s12], $0x10  }
0x1c: {  	[sflag:s12] =	ssyncset.done $0x0  }
0x1d: {  	s25 =	simm.s32 $0x0;
	[sflag:s12] =	ssyncadd.s32 $0xFFFFFFF0  }
0x1e: {  	[tilespmem:s3], [sflag:$0x1] =	stream.strided.gather [hbm4b:s8+s15], $0x1F40, s16, s15, $0x38;
	[tilespmem:$0x138B0] =	vst v63  }
.LBB2_2:
0x1f: {  	p0 =	slt.u32 s25, $0x8;
	s0 =	smov.u32 s9;
	s26 =	sshll.u32 s25, $0x2  }
0x20: {  	s0 =	smov.u32 @p0 s6;
	s1 =	sand.u32 $0x1C, s26  }
0x21: {  	s28 =	sshrl.u32 s0, $0x5;
	s1 =	smul.u32 $0x3E800, s1  }
0x22: {  	s29 =	sand.u32 $0x1F, s0;
	s14 =	smul.u32 $0x1F400, s28  }
0x23: {  	s4 =	smul.u32 $0xFA0, s29  }
0x24: {  	s0 =	sadd.s32 s14, s1  }
0x25: {  	_ =	swait.ge [sflag:s17], $0x1F40;
	s0 =	sadd.s32 s4, s0  }
0x26: {  	[sflag:s17] =	ssyncset.done $0x0;
	s0 =	sshrl.u32 s0, $0x3  }
0x27: {  	p0 =	seq.s32 s25, $0x0;
	[sflag:s17] =	ssyncadd.s32 $0xFFFFE0C0;
	s0 =	sadd.s32 s5, s0  }
0x28: {  	s1 =	simm.s32 $0x1F;
	s4 =	simm.s32 $0x1E;
	s0 =	sadd.s32 $0xFA00, s0  }
0x29: {  	v18 =	vadd.s32 s1, v0;
	[tilespmem:s18], [sflag:$0x2] =	stream.strided.gather [hbm4b:s0+s15], $0x1F40, s16, s15, $0x38;
	[tilespmem:$0x138B0] =	vst v63  }
0x2a: {  	s7 =	simm.s32 $0x18;
	v19 =	vadd.s32 s4, v0;
	s0 =	simm.s32 @!p0 $0x3  }
0x2b: {  	s11 =	simm.s32 $0x19;
	v20 =	vadd.s32 s7, v0;
	_ =	swait.ge @!p0 [sflag:s0], $0x7D00  }
0x2c: {  	v21 =	vadd.s32 s11, v0;
	s14 =	simm.s32 $0x1A;
	[sflag:s0] =	ssyncset.done @!p0 $0x0  }
0x2d: {  	v22 =	vadd.s32 s14, v0;
	s1 =	simm.s32 $0x1B;
	[sflag:s0] =	ssyncadd.s32 @!p0 $0xFFFF8300  }
0x2e: {  	v23 =	vadd.s32 s1, v0;
	s4 =	simm.s32 $0x1C;
	v18 =	vld.idx.msk [tilespmem:v18+s3+$0x0], $0xffff  }
0x2f: {  	s7 =	simm.s32 $0x1D;
	s11 =	simm.s32 $0x1;
	v24 =	vadd.s32 s4, v0;
	v19 =	vld.idx.msk [tilespmem:v19+s3+$0x0], $0xffff  }
0x30: {  	v25 =	vadd.s32 s7, v0;
	v26 =	vadd.s32 s11, v0;
	s11 =	simm.s32 $0x5;
	s14 =	simm.s32 $0x2;
	v20 =	vld.idx.msk [tilespmem:v20+s3+$0x0], $0xffff  }
0x31: {  	v31 =	vadd.s32 s11, v0;
	v27 =	vadd.s32 s14, v0;
	s14 =	simm.s32 $0x6;
	v21 =	vld.idx.msk [tilespmem:v21+s3+$0x0], $0xffff  }
0x32: {  	v43 =	vadd.s32 s14, v0;
	v22 =	vld.idx.msk [tilespmem:v22+s3+$0x0], $0xffff  }
0x33: {  	v23 =	vld.idx.msk [tilespmem:v23+s3+$0x0], $0xffff  }
0x34: {  	s31 =	simm.s32 $0x4080;
	s1 =	simm.s32 $0x3;
	v24 =	vld.idx.msk [tilespmem:v24+s3+$0x0], $0xffff  }
0x35: {  	v28 =	vadd.s32 s1, v0;
	s4 =	simm.s32 $0x0;
	v25 =	vld.idx.msk [tilespmem:v25+s3+$0x0], $0xffff;
	[tilespmem:s31+$0x1C0] =	vst v19  }
0x36: {  	s7 =	simm.s32 $0x4;
	v29 =	vadd.s32 s4, v0;
	v48 =	vld.idx.msk [tilespmem:v31+s3+$0x0], $0xffff;
	[tilespmem:s31+$0x100] =	vst v20  }
0x37: {  	v30 =	vadd.s32 s7, v0;
	s11 =	simm.s32 $0x9;
	s4 =	simm.s32 $0x7;
	v50 =	vld.idx.msk [tilespmem:v43+s3+$0x0], $0xffff;
	[tilespmem:s31+$0x120] =	vst v21  }
0x38: {  	v46 =	vadd.s32 s11, v0;
	s11 =	simm.s32 $0xD;
	s14 =	simm.s32 $0xA;
	v44 =	vadd.s32 s4, v0;
	v19 =	vld.idx.msk [tilespmem:v26+s3+$0x0], $0xffff;
	[tilespmem:s31+$0x140] =	vst v22  }
0x39: {  	v52 =	vadd.s32 s11, v0;
	v47 =	vadd.s32 s14, v0;
	s14 =	simm.s32 $0xE;
	v20 =	vld.idx.msk [tilespmem:v27+s3+$0x0], $0xffff;
	[tilespmem:s31+$0x160] =	vst v23  }
0x3a: {  	s7 =	simm.s32 $0x8;
	v53 =	vadd.s32 s14, v0;
	v21 =	vld.idx.msk [tilespmem:v28+s3+$0x0], $0xffff;
	[tilespmem:s31+$0x180] =	vst v24  }
0x3b: {  	v45 =	vadd.s32 s7, v0;
	v22 =	vld.idx.msk [tilespmem:v29+s3+$0x0], $0xffff;
	[tilespmem:s31+$0x1A0] =	vst v25  }
0x3c: {  	v23 =	vld.idx.msk [tilespmem:v30+s3+$0x0], $0xffff;
	[tilespmem:s31+$0x1E0] =	vst v18  }
0x3d: {  	s4 =	simm.s32 $0xB;
	v18 =	vld.idx.msk [tilespmem:v44+s3+$0x0], $0xffff;
	[tilespmem:s31+$0xFFFFFEA0] =	vst v48  }
0x3e: {  	s7 =	simm.s32 $0xC;
	v49 =	vadd.s32 s4, v0;
	v58 =	vld.idx.msk [tilespmem:v52+s3+$0x0], $0xffff;
	[tilespmem:s31+$0xFFFFFEC0] =	vst v50  }
0x3f: {  	v51 =	vadd.s32 s7, v0;
	s4 =	simm.s32 $0xF;
	v60 =	vld.idx.msk [tilespmem:v53+s3+$0x0], $0xffff;
	[tilespmem:s31+$0xFFFFFE20] =	vst v19  }
0x40: {  	s11 =	simm.s32 $0x11;
	v54 =	vadd.s32 s4, v0;
	v19 =	vld.idx.msk [tilespmem:v45+s3+$0x0], $0xffff;
	[tilespmem:s31+$0xFFFFFE40] =	vst v20  }
0x41: {  	s7 =	simm.s32 $0x10;
	v56 =	vadd.s32 s11, v0;
	v20 =	vld.idx.msk [tilespmem:v46+s3+$0x0], $0xffff;
	[tilespmem:s31+$0xFFFFFE00] =	vst v22  }
0x42: {  	v55 =	vadd.s32 s7, v0;
	s14 =	simm.s32 $0x12;
	v22 =	vld.idx.msk [tilespmem:v47+s3+$0x0], $0xffff;
	[tilespmem:s31+$0xFFFFFE60] =	vst v21  }
0x43: {  	s1 =	simm.s32 $0x13;
	v57 =	vadd.s32 s14, v0;
	v21 =	vld.idx.msk [tilespmem:v49+s3+$0x0], $0xffff;
	[tilespmem:s31+$0xFFFFFE80] =	vst v23  }
0x44: {  	v59 =	vadd.s32 s1, v0;
	s4 =	simm.s32 $0x14;
	v23 =	vld.idx.msk [tilespmem:v51+s3+$0x0], $0xffff;
	[tilespmem:s31+$0xFFFFFEE0] =	vst v18  }
0x45: {  	s7 =	simm.s32 $0x15;
	v61 =	vadd.s32 s4, v0;
	v18 =	vld.idx.msk [tilespmem:v54+s3+$0x0], $0xffff;
	[tilespmem:s31+$0xFFFFFFA0] =	vst v58  }
0x46: {  	v62 =	vadd.s32 s7, v0;
	s14 =	simm.s32 $0x17;
	v31 =	vld.idx.msk [tilespmem:v56+s3+$0x0], $0xffff;
	[tilespmem:s31+$0xFFFFFFC0] =	vst v60  }
0x47: {  	s11 =	simm.s32 $0x16;
	v32 =	vadd.s32 s14, v0;
	v30 =	vld.idx.msk [tilespmem:v55+s3+$0x0], $0xffff;
	[tilespmem:s31+$0xFFFFFF00] =	vst v19  }
0x48: {  	v26 =	vld.idx.msk [tilespmem:v57+s3+$0x0], $0xffff;
	v19 =	vadd.s32 s11, v0;
	[tilespmem:s31+$0xFFFFFF20] =	vst v20  }
0x49: {  	[tilespmem:s31+$0xFFFFFF40] =	vst v22;
	v22 =	vld.idx.msk [tilespmem:v59+s3+$0x0], $0xffff  }
0x4a: {  	[tilespmem:s31+$0xFFFFFF60] =	vst v21;
	v21 =	vld.idx.msk [tilespmem:v61+s3+$0x0], $0xffff  }
0x4b: {  	[tilespmem:s31+$0xFFFFFF80] =	vst v23;
	v20 =	vld.idx.msk [tilespmem:v62+s3+$0x0], $0xffff  }
0x4c: {  	[tilespmem:s31+$0xFFFFFFE0] =	vst v18;
	v18 =	vld.idx.msk [tilespmem:v32+s3+$0x0], $0xffff  }
0x4d: {  	v19 =	vld.idx.msk [tilespmem:v19+s3+$0x0], $0xffff;
	[tilespmem:s31+$0x0] =	vst v30  }
0x4e: {  	[tilespmem:s31+$0x20] =	vst v31  }
0x4f: {  	s30 =	sshll.u32 s25, $0x1;
	s0 =	simm.s32 $0x0;
	s4 =	simm.s32 $0x3F;
	[tilespmem:s31+$0x40] =	vst v26  }
.LBB2_3:
0x50: {  	s1 =	sadd.s32 $0xFFFFFFE2, s4;
	s11 =	sadd.s32 $0xFFFFFFFF, s4;
	v23 =	vadd.s32 s4, v0;
	s0 =	sadd.s32 $0x4, s0;
	[tilespmem:s31+$0x60] =	vst v22  }
0x51: {  	s14 =	sadd.s32 $0xFFFFFFF9, s4;
	v22 =	vadd.s32 s1, v0;
	s1 =	sadd.s32 $0xFFFFFFE3, s4;
	v24 =	vadd.s32 s11, v0;
	p1 =	slt.u32 s0, $0x78;
	[tilespmem:s31+$0x80] =	vst v21  }
0x52: {  	s11 =	sadd.s32 $0xFFFFFFE5, s4;
	v25 =	vadd.s32 s14, v0;
	s14 =	sadd.s32 $0xFFFFFFFA, s4;
	v21 =	vadd.s32 s1, v0;
	s1 =	sadd.s32 $0xFFFFFFE4, s4;
	[tilespmem:s31+$0xA0] =	vst v20  }
0x53: {  	v26 =	vadd.s32 s11, v0;
	s11 =	sadd.s32 $0xFFFFFFE7, s4;
	v27 =	vadd.s32 s14, v0;
	s14 =	sadd.s32 $0xFFFFFFFB, s4;
	v20 =	vadd.s32 s1, v0;
	s1 =	sadd.s32 $0xFFFFFFE6, s4;
	[tilespmem:s31+$0xC0] =	vst v19  }
0x54: {  	v28 =	vadd.s32 s11, v0;
	s11 =	sadd.s32 $0xFFFFFFE9, s4;
	v29 =	vadd.s32 s14, v0;
	s14 =	sadd.s32 $0xFFFFFFFC, s4;
	v19 =	vadd.s32 s1, v0;
	s1 =	sadd.s32 $0xFFFFFFE8, s4;
	[tilespmem:s31+$0xE0] =	vst v18  }
0x55: {  	v30 =	vadd.s32 s11, v0;
	s11 =	sadd.s32 $0xFFFFFFEB, s4;
	v31 =	vadd.s32 s14, v0;
	s14 =	sadd.s32 $0xFFFFFFFD, s4;
	v18 =	vadd.s32 s1, v0;
	s1 =	sadd.s32 $0xFFFFFFEA, s4;
	v23 =	vld.idx.msk [tilespmem:v23+s3+$0x0], $0xffff  }
0x56: {  	v33 =	vadd.s32 s11, v0;
	s11 =	sadd.s32 $0xFFFFFFED, s4;
	v34 =	vadd.s32 s14, v0;
	s14 =	sadd.s32 $0xFFFFFFFE, s4;
	v32 =	vadd.s32 s1, v0;
	s1 =	sadd.s32 $0xFFFFFFEC, s4;
	v24 =	vld.idx.msk [tilespmem:v24+s3+$0x0], $0xffff  }
0x57: {  	s7 =	sadd.s32 $0xFFFFFFF0, s4;
	v36 =	vadd.s32 s11, v0;
	s11 =	sadd.s32 $0xFFFFFFEF, s4;
	v37 =	vadd.s32 s14, v0;
	v35 =	vadd.s32 s1, v0;
	s1 =	sadd.s32 $0xFFFFFFEE, s4;
	v25 =	vld.idx.msk [tilespmem:v25+s3+$0x0], $0xffff  }
0x58: {  	v40 =	vadd.s32 s7, v0;
	s7 =	sadd.s32 $0xFFFFFFF2, s4;
	v39 =	vadd.s32 s11, v0;
	s11 =	sadd.s32 $0xFFFFFFF3, s4;
	v38 =	vadd.s32 s1, v0;
	s1 =	sadd.s32 $0xFFFFFFF1, s4;
	v27 =	vld.idx.msk [tilespmem:v27+s3+$0x0], $0xffff  }
0x59: {  	v42 =	vadd.s32 s7, v0;
	s7 =	sadd.s32 $0xFFFFFFF5, s4;
	v43 =	vadd.s32 s11, v0;
	s11 =	sadd.s32 $0xFFFFFFF6, s4;
	v41 =	vadd.s32 s1, v0;
	s1 =	sadd.s32 $0xFFFFFFF4, s4;
	v29 =	vld.idx.msk [tilespmem:v29+s3+$0x0], $0xffff  }
0x5a: {  	v45 =	vadd.s32 s7, v0;
	s7 =	sadd.s32 $0xFFFFFFF8, s4;
	s14 =	sadd.s32 $0xFFFFFFE1, s4;
	v46 =	vadd.s32 s11, v0;
	v44 =	vadd.s32 s1, v0;
	s1 =	sadd.s32 $0xFFFFFFF7, s4;
	v31 =	vld.idx.msk [tilespmem:v31+s3+$0x0], $0xffff  }
0x5b: {  	v49 =	vadd.s32 s7, v0;
	s31 =	sadd.s32 $0x400, s31;
	v47 =	vadd.s32 s14, v0;
	v48 =	vadd.s32 s1, v0;
	v34 =	vld.idx.msk [tilespmem:v34+s3+$0x0], $0xffff  }
0x5c: {  	v37 =	vld.idx.msk [tilespmem:v37+s3+$0x0], $0xffff;
	[tilespmem:s31+$0x1C0] =	vst v24  }
0x5d: {  	v22 =	vld.idx.msk [tilespmem:v22+s3+$0x0], $0xffff;
	[tilespmem:s31+$0x100] =	vst v25  }
0x5e: {  	v21 =	vld.idx.msk [tilespmem:v21+s3+$0x0], $0xffff;
	[tilespmem:s31+$0x120] =	vst v27  }
0x5f: {  	v20 =	vld.idx.msk [tilespmem:v20+s3+$0x0], $0xffff;
	[tilespmem:s31+$0x140] =	vst v29  }
0x60: {  	v24 =	vld.idx.msk [tilespmem:v47+s3+$0x0], $0xffff;
	[tilespmem:s31+$0x160] =	vst v31  }
0x61: {  	v25 =	vld.idx.msk [tilespmem:v26+s3+$0x0], $0xffff;
	[tilespmem:s31+$0x180] =	vst v34  }
0x62: {  	v19 =	vld.idx.msk [tilespmem:v19+s3+$0x0], $0xffff;
	[tilespmem:s31+$0x1A0] =	vst v37  }
0x63: {  	v26 =	vld.idx.msk [tilespmem:v28+s3+$0x0], $0xffff;
	[tilespmem:s31+$0x1E0] =	vst v23  }
0x64: {  	v18 =	vld.idx.msk [tilespmem:v18+s3+$0x0], $0xffff;
	[tilespmem:s31+$0xFFFFFE20] =	vst v22  }
0x65: {  	[tilespmem:s31+$0xFFFFFE40] =	vst v21;
	v21 =	vld.idx.msk [tilespmem:v30+s3+$0x0], $0xffff  }
0x66: {  	[tilespmem:s31+$0xFFFFFE00] =	vst v24;
	v22 =	vld.idx.msk [tilespmem:v32+s3+$0x0], $0xffff  }
0x67: {  	[tilespmem:s31+$0xFFFFFE60] =	vst v20;
	v20 =	vld.idx.msk [tilespmem:v33+s3+$0x0], $0xffff  }
0x68: {  	[tilespmem:s31+$0xFFFFFE80] =	vst v25;
	v23 =	vld.idx.msk [tilespmem:v35+s3+$0x0], $0xffff  }
0x69: {  	[tilespmem:s31+$0xFFFFFEA0] =	vst v19;
	v19 =	vld.idx.msk [tilespmem:v36+s3+$0x0], $0xffff  }
0x6a: {  	[tilespmem:s31+$0xFFFFFEC0] =	vst v26;
	v24 =	vld.idx.msk [tilespmem:v38+s3+$0x0], $0xffff  }
0x6b: {  	[tilespmem:s31+$0xFFFFFEE0] =	vst v18;
	v18 =	vld.idx.msk [tilespmem:v39+s3+$0x0], $0xffff  }
0x6c: {  	v25 =	vld.idx.msk [tilespmem:v40+s3+$0x0], $0xffff;
	[tilespmem:s31+$0xFFFFFF00] =	vst v21  }
0x6d: {  	[tilespmem:s31+$0xFFFFFF20] =	vst v22;
	v26 =	vld.idx.msk [tilespmem:v41+s3+$0x0], $0xffff  }
0x6e: {  	[tilespmem:s31+$0xFFFFFF40] =	vst v20;
	v27 =	vld.idx.msk [tilespmem:v42+s3+$0x0], $0xffff  }
0x6f: {  	[tilespmem:s31+$0xFFFFFF60] =	vst v23;
	v23 =	vld.idx.msk [tilespmem:v43+s3+$0x0], $0xffff  }
0x70: {  	[tilespmem:s31+$0xFFFFFF80] =	vst v19;
	v22 =	vld.idx.msk [tilespmem:v44+s3+$0x0], $0xffff  }
0x71: {  	[tilespmem:s31+$0xFFFFFFA0] =	vst v24;
	v21 =	vld.idx.msk [tilespmem:v45+s3+$0x0], $0xffff  }
.Ltmp0:
0x72: {  	[tilespmem:s31+$0xFFFFFFC0] =	vst v18;
	v20 =	vld.idx.msk [tilespmem:v46+s3+$0x0], $0xffff;
	(pc) =	sbr.rel @p1 .LBB2_3-.Ltmp0, $4  }
0x73: {  	[tilespmem:s31+$0xFFFFFFE0] =	vst v25;
	v19 =	vld.idx.msk [tilespmem:v48+s3+$0x0], $0xffff  }
0x74: {  	v18 =	vld.idx.msk [tilespmem:v49+s3+$0x0], $0xffff;
	[tilespmem:s31+$0x0] =	vst v26  }
0x75: {  	[tilespmem:s31+$0x20] =	vst v27  }
0x76: {  	s4 =	sadd.s32 $0x20, s4;
	[tilespmem:s31+$0x40] =	vst v23  }
0x77: {  	[tilespmem:s31+$0x60] =	vst v22  }
0x78: {  	[tilespmem:s31+$0x80] =	vst v21  }
0x79: {  	[tilespmem:s31+$0xA0] =	vst v20  }
0x7a: {  	[tilespmem:s31+$0xC0] =	vst v19  }
0x7b: {  	[tilespmem:s31+$0xE0] =	vst v18  }
0x7c: {  	v1 =	vld [tilespmem:$0x1FF70];
	_ =	sdelay $0x6  }
0x7d: {  	s0 =	simm.s32 $0x0  }
0x7e: {  	v19 =	vld.idx.msk [tilespmem:v1+s0+$0x0], $0xffff  }
0x7f: {  	v1 =	vld [tilespmem:$0x1FF80];
	_ =	sdelay $0x7  }
0x80: {  	v20 =	vld.idx.msk [tilespmem:v1+s0+$0x0], $0xffff  }
0x81: {  	v1 =	vld [tilespmem:$0x1FF90];
	_ =	sdelay $0x7  }
0x82: {  	v21 =	vld.idx.msk [tilespmem:v1+s0+$0x0], $0xffff  }
0x83: {  	v1 =	vld [tilespmem:$0x1FFA0];
	_ =	sdelay $0x7  }
0x84: {  	v22 =	vld.idx.msk [tilespmem:v1+s0+$0x0], $0xffff  }
0x85: {  	v1 =	vld [tilespmem:$0x1FFB0];
	_ =	sdelay $0x7  }
0x86: {  	v23 =	vld.idx.msk [tilespmem:v1+s0+$0x0], $0xffff  }
0x87: {  	v1 =	vld [tilespmem:$0x1FFC0];
	_ =	sdelay $0x7  }
0x88: {  	v24 =	vld.idx.msk [tilespmem:v1+s0+$0x0], $0xffff  }
0x89: {  	v1 =	vld [tilespmem:$0x1FFD0];
	_ =	sdelay $0x2  }
0x8a: {  	v18 =	vld.idx.msk [tilespmem:v63+s0+$0x0], $0xffff;
	_ =	sdelay $0x4  }
0x8b: {  	v25 =	vld.idx.msk [tilespmem:v1+s0+$0x0], $0xffff;
	[tilespmem:$0xBA80] =	vst v18  }
0x8c: {  	[tilespmem:$0xBAA0] =	vst v19  }
0x8d: {  	s14 =	simm.s32 $0x8;
	[tilespmem:$0xBAC0] =	vst v20  }
0x8e: {  	s1 =	simm.s32 $0x18;
	v26 =	vadd.s32 s14, v0;
	[tilespmem:$0xBAE0] =	vst v21;
	v18 =	vadd.s32 s0, v9  }
0x8f: {  	v26 =	vand.u32 $0x7FFFFFF8, v26;
	[tilespmem:$0xBB00] =	vst v22;
	v20 =	vadd.s32 s1, v9  }
0x90: {  	v28 =	vadd.s32 $0xFA1, v26;
	[tilespmem:$0xBB20] =	vst v23  }
0x91: {  	v29 =	vadd.s32 $0xFA2, v26;
	[tilespmem:$0xBB40] =	vst v24  }
0x92: {  	v30 =	vadd.s32 $0xFA3, v26;
	[tilespmem:$0xBB60] =	vst v25  }
0x93: {  	v31 =	vadd.s32 $0xFA4, v26;
	v18 =	vld.idx.msk [tilespmem:v18+s3+$0x0], $0xffff  }
0x94: {  	s4 =	simm.s32 $0x10;
	v32 =	vadd.s32 $0xFA5, v26;
	v20 =	vld.idx.msk [tilespmem:v20+s3+$0x0], $0xffff  }
0x95: {  	v33 =	vadd.s32 s4, v0;
	v34 =	vadd.s32 $0xFA6, v26;
	v28 =	vld.idx.msk [tilespmem:v28+s3+$0x0], $0xffff  }
0x96: {  	v33 =	vand.u32 $0x7FFFFFF8, v33;
	v26 =	vadd.s32 $0xFA7, v26;
	v29 =	vld.idx.msk [tilespmem:v29+s3+$0x0], $0xffff  }
0x97: {  	v35 =	vadd.s32 $0xFA1, v33;
	v30 =	vld.idx.msk [tilespmem:v30+s3+$0x0], $0xffff  }
0x98: {  	v36 =	vadd.s32 $0xFA2, v33;
	v31 =	vld.idx.msk [tilespmem:v31+s3+$0x0], $0xffff  }
0x99: {  	v37 =	vadd.s32 $0xFA3, v33;
	v32 =	vld.idx.msk [tilespmem:v32+s3+$0x0], $0xffff  }
0x9a: {  	v38 =	vadd.s32 $0xFA4, v33;
	v19 =	vadd.s32 s1, v0;
	v34 =	vld.idx.msk [tilespmem:v34+s3+$0x0], $0xffff  }
0x9b: {  	v40 =	vadd.s32 $0xFA5, v33;
	v19 =	vand.u32 $0x7FFFFFF8, v19;
	v26 =	vld.idx.msk [tilespmem:v26+s3+$0x0], $0xffff  }
0x9c: {  	v21 =	vadd.s32 $0xFA7, v19;
	v35 =	vld.idx.msk [tilespmem:v35+s3+$0x0], $0xffff  }
0x9d: {  	v22 =	vadd.s32 $0xFA1, v19;
	v36 =	vld.idx.msk [tilespmem:v36+s3+$0x0], $0xffff  }
0x9e: {  	v23 =	vadd.s32 $0xFA2, v19;
	v37 =	vld.idx.msk [tilespmem:v37+s3+$0x0], $0xffff  }
0x9f: {  	v24 =	vadd.s32 $0xFA3, v19;
	v38 =	vld.idx.msk [tilespmem:v38+s3+$0x0], $0xffff  }
0xa0: {  	v27 =	vadd.s32 $0xFA5, v19;
	v40 =	vld.idx.msk [tilespmem:v40+s3+$0x0], $0xffff  }
0xa1: {  	v39 =	vadd.s32 s0, v0;
	v25 =	vadd.s32 $0xFA4, v19;
	v21 =	vld.idx.msk [tilespmem:v21+s3+$0x0], $0xffff  }
0xa2: {  	v39 =	vand.u32 $0x1FF8, v39;
	v19 =	vadd.s32 $0xFA6, v19;
	v22 =	vld.idx.msk [tilespmem:v22+s3+$0x0], $0xffff  }
0xa3: {  	v43 =	vadd.s32 $0xFA2, v39;
	v23 =	vld.idx.msk [tilespmem:v23+s3+$0x0], $0xffff  }
0xa4: {  	v42 =	vadd.s32 $0xFA1, v39;
	v24 =	vld.idx.msk [tilespmem:v24+s3+$0x0], $0xffff  }
0xa5: {  	v45 =	vadd.s32 $0xFA4, v39;
	v27 =	vld.idx.msk [tilespmem:v27+s3+$0x0], $0xffff  }
0xa6: {  	s31 =	simm.s32 $0x4090;
	v44 =	vadd.s32 $0xFA3, v39;
	v25 =	vld.idx.msk [tilespmem:v25+s3+$0x0], $0xffff  }
0xa7: {  	v46 =	vadd.s32 $0xFA5, v39;
	v19 =	vld.idx.msk [tilespmem:v19+s3+$0x0], $0xffff;
	[tilespmem:s31+$0x1E0] =	vst v21  }
0xa8: {  	v11 =	vmov v63;
	v63 =	vld.idx.msk [tilespmem:v43+s3+$0x0], $0xffff;
	v21 =	vadd.s32 $0xFA6, v39;
	[tilespmem:s31+$0x120] =	vst v22  }
0xa9: {  	v22 =	vld.idx.msk [tilespmem:v42+s3+$0x0], $0xffff;
	v39 =	vadd.s32 $0xFA7, v39;
	[tilespmem:s31+$0x140] =	vst v23  }
0xaa: {  	s7 =	simm.s32 $0x38;
	v43 =	vld.idx.msk [tilespmem:v45+s3+$0x0], $0xffff;
	v23 =	vadd.s32 s14, v9;
	[tilespmem:s31+$0x160] =	vst v24  }
0xab: {  	v41 =	vadd.s32 $0xFA6, v33;
	v24 =	vld.idx.msk [tilespmem:v44+s3+$0x0], $0xffff;
	[tilespmem:s31+$0x1A0] =	vst v27;
	v27 =	vadd.s32 s7, v0  }
0xac: {  	v33 =	vadd.s32 $0xFA7, v33;
	v44 =	vld.idx.msk [tilespmem:v46+s3+$0x0], $0xffff;
	v27 =	vand.u32 $0x7FFFFFF8, v27;
	[tilespmem:s31+$0x180] =	vst v25  }
0xad: {  	v4 =	vadd.s32 $0xFA7, v27;
	[tilespmem:s31+$0x1C0] =	vst v19;
	v45 =	vld.idx.msk [tilespmem:v21+s3+$0x0], $0xffff  }
0xae: {  	v25 =	vadd.s32 s4, v9;
	v39 =	vld.idx.msk [tilespmem:v39+s3+$0x0], $0xffff;
	[tilespmem:s31+$0xFFFFFE20] =	vst v22  }
0xaf: {  	v19 =	vadd.s32 s7, v9;
	v47 =	vld.idx.msk [tilespmem:v23+s3+$0x0], $0xffff;
	[tilespmem:s31+$0xFFFFFF20] =	vst v28  }
0xb0: {  	s11 =	simm.s32 $0x28;
	v41 =	vld.idx.msk [tilespmem:v41+s3+$0x0], $0xffff;
	v22 =	vadd.s32 $0xFA1, v27;
	[tilespmem:s31+$0xFFFFFF40] =	vst v29  }
0xb1: {  	v23 =	vld.idx.msk [tilespmem:v33+s3+$0x0], $0xffff;
	v28 =	vadd.s32 $0xFA2, v27;
	[tilespmem:s31+$0xFFFFFF80] =	vst v31;
	v31 =	vadd.s32 s11, v0  }
0xb2: {  	[tilespmem:s31+$0xFFFFFF60] =	vst v30;
	v29 =	vadd.s32 $0xFA5, v27;
	v31 =	vand.u32 $0x7FFFFFF8, v31;
	v30 =	vld.idx.msk [tilespmem:v4+s3+$0x0], $0xffff  }
0xb3: {  	[tilespmem:s31+$0x100] =	vst v20;
	v6 =	vadd.s32 $0xFA1, v31;
	v20 =	vld.idx.msk [tilespmem:v25+s3+$0x0], $0xffff  }
0xb4: {  	v52 =	vadd.s32 $0xFA3, v31;
	v21 =	vld.idx.msk [tilespmem:v19+s3+$0x0], $0xffff  }
0xb5: {  	[tilespmem:s31+$0xFFFFFFA0] =	vst v32;
	v25 =	vadd.s32 $0xFA3, v27;
	v22 =	vld.idx.msk [tilespmem:v22+s3+$0x0], $0xffff  }
0xb6: {  	[tilespmem:s31+$0xFFFFFFC0] =	vst v34;
	v19 =	vadd.s32 $0xFA4, v27;
	v28 =	vld.idx.msk [tilespmem:v28+s3+$0x0], $0xffff  }
0xb7: {  	[tilespmem:s31+$0xFFFFFFE0] =	vst v26;
	v27 =	vadd.s32 $0xFA6, v27;
	v29 =	vld.idx.msk [tilespmem:v29+s3+$0x0], $0xffff  }
0xb8: {  	s14 =	simm.s32 $0x20;
	v48 =	vadd.s32 $0xFA4, v31;
	[tilespmem:s31+$0x40] =	vst v36;
	v36 =	vld.idx.msk [tilespmem:v6+s3+$0x0], $0xffff  }
0xb9: {  	v5 =	vadd.s32 s14, v9;
	[tilespmem:s31+$0x20] =	vst v35;
	v35 =	vld.idx.msk [tilespmem:v52+s3+$0x0], $0xffff  }
0xba: {  	[tilespmem:s31+$0xFFFFFE40] =	vst v63;
	v53 =	vadd.s32 $0xFA6, v31;
	v26 =	vld.idx.msk [tilespmem:v25+s3+$0x0], $0xffff  }
0xbb: {  	s0 =	simm.s32 $0x4490;
	s7 =	simm.s32 $0x30;
	[tilespmem:s31+$0xFFFFFE60] =	vst v24;
	v25 =	vadd.s32 $0xFA2, v31;
	v7 =	vld.idx.msk [tilespmem:v19+s3+$0x0], $0xffff  }
0xbc: {  	v49 =	vld.idx.msk [tilespmem:v27+s3+$0x0], $0xffff;
	v27 =	vadd.s32 $0xFA5, v31;
	[tilespmem:s0+$0x1E0] =	vst v30;
	v30 =	vadd.s32 s7, v0  }
0xbd: {  	[tilespmem:s31+$0xFFFFFE80] =	vst v43;
	v54 =	vadd.s32 $0xFA7, v31;
	v34 =	vld.idx.msk [tilespmem:v48+s3+$0x0], $0xffff;
	v30 =	vand.u32 $0x7FFFFFF8, v30  }
0xbe: {  	[tilespmem:s31+$0xFFFFFEA0] =	vst v44;
	v19 =	vld.idx.msk [tilespmem:v5+s3+$0x0], $0xffff;
	v55 =	vadd.s32 $0xFA1, v30  }
0xbf: {  	[tilespmem:s31+$0x60] =	vst v37;
	v31 =	vld.idx.msk [tilespmem:v53+s3+$0x0], $0xffff;
	v56 =	vadd.s32 $0xFA2, v30  }
0xc0: {  	[tilespmem:s31+$0xE0] =	vst v23;
	v23 =	vadd.s32 $0xFA3, v30;
	v37 =	vld.idx.msk [tilespmem:v25+s3+$0x0], $0xffff  }
0xc1: {  	[tilespmem:s0+$0x120] =	vst v22;
	v22 =	vadd.s32 $0xFA4, v30;
	v33 =	vld.idx.msk [tilespmem:v27+s3+$0x0], $0xffff  }
0xc2: {  	[tilespmem:s31+$0x80] =	vst v38;
	v57 =	vadd.s32 $0xFA5, v30;
	v25 =	vld.idx.msk [tilespmem:v54+s3+$0x0], $0xffff  }
0xc3: {  	v58 =	vadd.s32 $0xFA6, v30;
	[tilespmem:s0+$0x160] =	vst v26;
	v27 =	vadd.s32 s14, v0;
	v26 =	vld.idx.msk [tilespmem:v55+s3+$0x0], $0xffff  }
0xc4: {  	[tilespmem:s31+$0xA0] =	vst v40;
	v60 =	vadd.s32 $0xFA7, v30;
	v59 =	vand.u32 $0x1FF8, v27;
	v27 =	vld.idx.msk [tilespmem:v56+s3+$0x0], $0xffff  }
0xc5: {  	[tilespmem:s0+$0x140] =	vst v28;
	v61 =	vadd.s32 $0xFA1, v59;
	v28 =	vld.idx.msk [tilespmem:v23+s3+$0x0], $0xffff  }
0xc6: {  	[tilespmem:s31+$0xC0] =	vst v41;
	v62 =	vadd.s32 $0xFA2, v59;
	v23 =	vld.idx.msk [tilespmem:v22+s3+$0x0], $0xffff  }
0xc7: {  	[tilespmem:s0+$0x1A0] =	vst v29;
	v63 =	vadd.s32 $0xFA3, v59;
	v29 =	vld.idx.msk [tilespmem:v57+s3+$0x0], $0xffff  }
0xc8: {  	[tilespmem:s31+$0xFFFFFEC0] =	vst v45;
	v30 =	vld.idx.msk [tilespmem:v58+s3+$0x0], $0xffff;
	v43 =	vadd.s32 $0xFA4, v59  }
0xc9: {  	[tilespmem:s31+$0xFFFFFEE0] =	vst v39;
	v32 =	vld.idx.msk [tilespmem:v60+s3+$0x0], $0xffff;
	v42 =	vadd.s32 $0xFA5, v59  }
0xca: {  	[tilespmem:s31+$0xFFFFFF00] =	vst v47;
	v41 =	vadd.s32 $0xFA6, v59;
	v44 =	vld.idx.msk [tilespmem:v61+s3+$0x0], $0xffff  }
0xcb: {  	[tilespmem:s0+$0x180] =	vst v7;
	v40 =	vadd.s32 $0xFA7, v59;
	v22 =	vld.idx.msk [tilespmem:v62+s3+$0x0], $0xffff  }
0xcc: {  	s1 =	simm.s32 $0x40;
	s4 =	simm.s32 $0x4;
	v38 =	vadd.s32 s7, v9;
	v39 =	vadd.s32 s11, v9;
	[tilespmem:s0+$0x1C0] =	vst v49;
	v24 =	vld.idx.msk [tilespmem:v63+s3+$0x0], $0xffff  }
.LBB2_5:
0xcd: {  	v45 =	vadd.s32 s1, v9;
	v46 =	vadd.s32 s1, v0;
	s11 =	sadd.s32 $0x8, s1;
	s7 =	sadd.s32 $0x18, s1;
	s4 =	sadd.s32 $0x4, s4;
	v47 =	vld.idx.msk [tilespmem:v43+s3+$0x0], $0xffff;
	[tilespmem:s31+$0x0] =	vst v20  }
0xce: {  	s14 =	sadd.s32 $0x10, s1;
	v46 =	vand.u32 $0x1FF8, v46;
	v20 =	vadd.s32 s11, v0;
	v43 =	vadd.s32 s7, v0;
	p1 =	slt.u32 s4, $0x78;
	v48 =	vld.idx.msk [tilespmem:v42+s3+$0x0], $0xffff;
	[tilespmem:s0+$0x100] =	vst v21  }
0xcf: {  	v21 =	vadd.s32 s14, v0;
	v42 =	vadd.s32 s7, v9;
	v43 =	vand.u32 $0x7FFFFFF8, v43;
	v49 =	vld.idx.msk [tilespmem:v41+s3+$0x0], $0xffff;
	[tilespmem:s31+$0xFFFFFE00] =	vst v18;
	v18 =	vmovc v19;
	s31 =	smov.u32 s0  }
0xd0: {  	v41 =	vand.u32 $0x7FFFFFF8, v20;
	v50 =	vand.u32 $0x7FFFFFF8, v21;
	v51 =	vadd.s32 $0xFA7, v43;
	v52 =	vld.idx.msk [tilespmem:v40+s3+$0x0], $0xffff;
	[tilespmem:s0+$0xFFFFFE20] =	vst v44  }
0xd1: {  	v44 =	vadd.s32 $0xFA1, v41;
	v53 =	vadd.s32 $0xFA2, v41;
	v40 =	vadd.s32 $0xFA1, v43;
	v54 =	vld.idx.msk [tilespmem:v39+s3+$0x0], $0xffff;
	[tilespmem:s0+$0xFFFFFF20] =	vst v36  }
0xd2: {  	v55 =	vadd.s32 $0xFA3, v41;
	v56 =	vadd.s32 $0xFA4, v41;
	v36 =	vadd.s32 $0xFA2, v43;
	[tilespmem:s0+$0xFFFFFF40] =	vst v37;
	v20 =	vld.idx.msk [tilespmem:v38+s3+$0x0], $0xffff  }
0xd3: {  	v57 =	vadd.s32 $0xFA6, v41;
	v37 =	vadd.s32 $0xFA3, v43;
	v19 =	vld.idx.msk [tilespmem:v45+s3+$0x0], $0xffff;
	v45 =	vadd.s32 $0xFA5, v41;
	[tilespmem:s0+$0xFFFFFF60] =	vst v35  }
0xd4: {  	v58 =	vadd.s32 $0xFA7, v41;
	v59 =	vadd.s32 $0xFA1, v50;
	v35 =	vadd.s32 $0xFA4, v43;
	v21 =	vld.idx.msk [tilespmem:v42+s3+$0x0], $0xffff;
	[tilespmem:s0+$0xFFFFFF80] =	vst v34  }
0xd5: {  	v60 =	vadd.s32 $0xFA2, v50;
	v61 =	vadd.s32 $0xFA3, v50;
	v34 =	vadd.s32 $0xFA5, v43;
	v51 =	vld.idx.msk [tilespmem:v51+s3+$0x0], $0xffff;
	[tilespmem:s0+$0xFFFFFFA0] =	vst v33  }
0xd6: {  	v62 =	vadd.s32 $0xFA4, v50;
	v63 =	vadd.s32 $0xFA5, v50;
	v33 =	vadd.s32 $0xFA6, v43;
	v1 =	vld.idx.msk [tilespmem:v40+s3+$0x0], $0xffff;
	[tilespmem:s0+$0xFFFFFFC0] =	vst v31  }
0xd7: {  	v2 =	vadd.s32 $0xFA1, v46;
	v3 =	vadd.s32 $0xFA6, v50;
	v50 =	vadd.s32 $0xFA7, v50;
	v4 =	vld.idx.msk [tilespmem:v36+s3+$0x0], $0xffff;
	[tilespmem:s0+$0xFFFFFFE0] =	vst v25  }
0xd8: {  	v5 =	vadd.s32 $0xFA2, v46;
	v6 =	vadd.s32 $0xFA3, v46;
	v43 =	vadd.s32 $0xFA4, v46;
	v7 =	vld.idx.msk [tilespmem:v37+s3+$0x0], $0xffff;
	[tilespmem:s0+$0x20] =	vst v26  }
0xd9: {  	v41 =	vadd.s32 $0xFA6, v46;
	v42 =	vadd.s32 $0xFA5, v46;
	v40 =	vadd.s32 $0xFA7, v46;
	v46 =	vld.idx.msk [tilespmem:v35+s3+$0x0], $0xffff;
	[tilespmem:s0+$0x40] =	vst v27  }
0xda: {  	v39 =	vadd.s32 s11, v9;
	v38 =	vadd.s32 s14, v9;
	s0 =	sadd.s32 $0x400, s0;
	v8 =	vld.idx.msk [tilespmem:v34+s3+$0x0], $0xffff;
	[tilespmem:s31+$0x60] =	vst v28  }
0xdb: {  	v10 =	vld.idx.msk [tilespmem:v33+s3+$0x0], $0xffff;
	[tilespmem:s0+$0x1E0] =	vst v51  }
0xdc: {  	v36 =	vld.idx.msk [tilespmem:v44+s3+$0x0], $0xffff;
	[tilespmem:s31+$0x80] =	vst v23  }
0xdd: {  	v37 =	vld.idx.msk [tilespmem:v53+s3+$0x0], $0xffff;
	[tilespmem:s31+$0xA0] =	vst v29  }
0xde: {  	v35 =	vld.idx.msk [tilespmem:v55+s3+$0x0], $0xffff;
	[tilespmem:s31+$0xC0] =	vst v30  }
0xdf: {  	v34 =	vld.idx.msk [tilespmem:v56+s3+$0x0], $0xffff;
	[tilespmem:s31+$0xE0] =	vst v32  }
0xe0: {  	v33 =	vld.idx.msk [tilespmem:v45+s3+$0x0], $0xffff;
	[tilespmem:s0+$0x120] =	vst v1  }
0xe1: {  	v31 =	vld.idx.msk [tilespmem:v57+s3+$0x0], $0xffff;
	[tilespmem:s0+$0x140] =	vst v4  }
0xe2: {  	v25 =	vld.idx.msk [tilespmem:v58+s3+$0x0], $0xffff;
	[tilespmem:s0+$0x160] =	vst v7  }
0xe3: {  	v26 =	vld.idx.msk [tilespmem:v59+s3+$0x0], $0xffff;
	[tilespmem:s0+$0x180] =	vst v46  }
0xe4: {  	v27 =	vld.idx.msk [tilespmem:v60+s3+$0x0], $0xffff;
	[tilespmem:s0+$0x1A0] =	vst v8  }
0xe5: {  	v28 =	vld.idx.msk [tilespmem:v61+s3+$0x0], $0xffff;
	[tilespmem:s0+$0x1C0] =	vst v10  }
0xe6: {  	v23 =	vld.idx.msk [tilespmem:v62+s3+$0x0], $0xffff;
	[tilespmem:s31+$0xFFFFFE40] =	vst v22  }
0xe7: {  	v29 =	vld.idx.msk [tilespmem:v63+s3+$0x0], $0xffff;
	[tilespmem:s31+$0xFFFFFE60] =	vst v24  }
.Ltmp1:
0xe8: {  	v30 =	vld.idx.msk [tilespmem:v3+s3+$0x0], $0xffff;
	[tilespmem:s31+$0xFFFFFE80] =	vst v47;
	(pc) =	sbr.rel @p1 .LBB2_5-.Ltmp1, $4  }
0xe9: {  	v32 =	vld.idx.msk [tilespmem:v50+s3+$0x0], $0xffff;
	[tilespmem:s31+$0xFFFFFEA0] =	vst v48  }
0xea: {  	v44 =	vld.idx.msk [tilespmem:v2+s3+$0x0], $0xffff;
	[tilespmem:s31+$0xFFFFFEC0] =	vst v49  }
0xeb: {  	v22 =	vld.idx.msk [tilespmem:v5+s3+$0x0], $0xffff;
	[tilespmem:s31+$0xFFFFFEE0] =	vst v52  }
0xec: {  	s1 =	sadd.s32 $0x20, s1;
	v24 =	vld.idx.msk [tilespmem:v6+s3+$0x0], $0xffff;
	[tilespmem:s31+$0xFFFFFF00] =	vst v54  }
0xed: {  	_ = 	snop  }
0xee: {  	[tilespmem:s31+$0x0] =	vst v20  }
0xef: {  	[tilespmem:s0+$0x100] =	vst v21  }
0xf0: {  	[tilespmem:s31+$0xFFFFFE00] =	vst v18  }
0xf1: {  	v5 =	vld.idx.msk [tilespmem:v39+s3+$0x0], $0xffff;
	[tilespmem:s0+$0xFFFFFF20] =	vst v36  }
0xf2: {  	[tilespmem:s0+$0xFFFFFF40] =	vst v37  }
0xf3: {  	[tilespmem:s0+$0xFFFFFF60] =	vst v35  }
0xf4: {  	[tilespmem:s0+$0xFFFFFF80] =	vst v34  }
0xf5: {  	[tilespmem:s0+$0xFFFFFFA0] =	vst v33  }
0xf6: {  	[tilespmem:s0+$0xFFFFFFC0] =	vst v31  }
0xf7: {  	[tilespmem:s0+$0xFFFFFFE0] =	vst v25  }
0xf8: {  	v6 =	vld.idx.msk [tilespmem:v38+s3+$0x0], $0xffff;
	[tilespmem:s0+$0x20] =	vst v26  }
0xf9: {  	[tilespmem:s0+$0x40] =	vst v27  }
0xfa: {  	[tilespmem:s0+$0x60] =	vst v28  }
0xfb: {  	v1 =	vld.idx.msk [tilespmem:v43+s3+$0x0], $0xffff;
	[tilespmem:s0+$0x80] =	vst v23  }
0xfc: {  	v2 =	vld.idx.msk [tilespmem:v42+s3+$0x0], $0xffff;
	[tilespmem:s0+$0xA0] =	vst v29  }
0xfd: {  	v3 =	vld.idx.msk [tilespmem:v41+s3+$0x0], $0xffff;
	[tilespmem:s0+$0xC0] =	vst v30  }
0xfe: {  	v4 =	vld.idx.msk [tilespmem:v40+s3+$0x0], $0xffff;
	[tilespmem:s0+$0xFFFFFE00] =	vst v19  }
0xff: {  	[tilespmem:s0+$0xE0] =	vst v32  }
0x100: {  	[tilespmem:s0+$0xFFFFFE20] =	vst v44  }
0x101: {  	[tilespmem:s0+$0xFFFFFE40] =	vst v22  }
0x102: {  	[tilespmem:s0+$0xFFFFFE60] =	vst v24  }
0x103: {  	[tilespmem:s0+$0xFFFFFE80] =	vst v1  }
0x104: {  	[tilespmem:s0+$0xFFFFFEA0] =	vst v2  }
0x105: {  	[tilespmem:s0+$0xFFFFFEC0] =	vst v3  }
0x106: {  	[tilespmem:s0+$0xFFFFFEE0] =	vst v4  }
0x107: {  	[tilespmem:s0+$0xFFFFFF00] =	vst v5  }
0x108: {  	[tilespmem:s0+$0x0] =	vst v6  }
0x109: {  	v1 =	vld [tilespmem:$0x1FFE0]  }
0x10a: {  	s7 =	simm.s32 $0x0;
	v2 =	vld [tilespmem:$0x1FFF0]  }
0x10b: {  	v3 =	vld.idx.msk [tilespmem:v12+s7+$0x0], $0xffff  }
0x10c: {  	v4 =	vld.idx.msk [tilespmem:v13+s7+$0x0], $0xffff  }
0x10d: {  	v5 =	vld.idx.msk [tilespmem:v14+s7+$0x0], $0xffff  }
0x10e: {  	v6 =	vld.idx.msk [tilespmem:v15+s7+$0x0], $0xffff  }
0x10f: {  	v7 =	vld.idx.msk [tilespmem:v16+s7+$0x0], $0xffff  }
0x110: {  	v8 =	vld.idx.msk [tilespmem:v17+s7+$0x0], $0xffff  }
0x111: {  	s11 =	smul.u32 $0xFA0000, s28;
	v1 =	vld.idx.msk [tilespmem:v1+s7+$0x0], $0xffff  }
0x112: {  	s1 =	smul.u32 $0x7D000, s29;
	v2 =	vld.idx.msk [tilespmem:v2+s7+$0x0], $0xffff;
	[tilespmem:$0xBAD0] =	vst v3  }
0x113: {  	s4 =	sshll.u32 s25, $0x9;
	[tilespmem:$0xBAF0] =	vst v4  }
0x114: {  	s29 =	sshll.u32 s25, $0x6;
	s14 =	sand.u32 $0xC00, s4;
	s0 =	sadd.s32 s1, s11;
	[tilespmem:$0xBB10] =	vst v5  }
0x115: {  	s31 =	sand.u32 $0x40, s29;
	s28 =	sor.u32 s14, s0;
	[tilespmem:$0xBB30] =	vst v6  }
0x116: {  	s0 =	sor.u32 s31, s28;
	[tilespmem:$0xBB50] =	vst v7  }
0x117: {  	s0 =	sshrl.u32 s0, $0x3;
	[tilespmem:$0xBB70] =	vst v8  }
0x118: {  	s4 =	simm.s32 $0x200;
	s0 =	sadd.s32 s2, s0;
	[tilespmem:$0xBA90] =	vst v1  }
0x119: {  	s1 =	simm.s32 $0x3E80;
	s11 =	simm.s32 $0x3F80;
	s14 =	sadd.s32 $0x0, s0;
	[tilespmem:$0xBAB0] =	vst v2  }
.LBB2_7:
0x11a: {  	[hbm4b:s14+s19] =	stream.strided.scatter [tilespmem:s1], [sflag:$0x3], $0x100, s20, s19, $0x38;
	[tilespmem:$0x138B0] =	vst v63  }
0x11b: {  	s7 =	smov.u32 s4;
	s1 =	smov.u32 s11;
	p1 =	sne.s32 s4, $0xF800  }
.Ltmp2:
0x11c: {  	s4 =	sadd.s32 $0x200, s4;
	(pc) =	sbr.rel @p1 .LBB2_7-.Ltmp2, $2  }
0x11d: {  	_ =	sdelay $0x2  }
0x11e: {  	s11 =	sadd.s32 $0x100, s11;
	s14 =	sadd.s32 s7, s0  }
0x11f: {  	[hbm4b:s14+s19] =	stream.strided.scatter [tilespmem:s1], [sflag:$0x3], $0x100, s20, s19, $0x38;
	[tilespmem:$0x138B0] =	vst v63  }
0x120: {  	s29 =	sor.u32 $0x1, s30  }
0x121: {  	p1 =	sgt.u32 s29, $0x1E  }
0x122: {  	p2 =	slt.u32 @!p1 s25, $0x7  }
0x123: {  	s1 =	smov.u32 s6;
	s0 =	sadd.s32 @!p1 $0x4, s26;
	p2 =	por !p2, p1  }
0x124: {  	s0 =	sand.u32 @!p1 $0x1C, s0;
	s1 =	smov.u32 @p2 s9  }
0x125: {  	s0 =	smul.u32 @!p1 $0x3E800, s0;
	s4 =	sshrl.u32 @!p1 s1, $0x5  }
0x126: {  	s1 =	sand.u32 @!p1 $0x1F, s1;
	s4 =	smul.u32 @!p1 $0x1F400, s4  }
0x127: {  	s1 =	smul.u32 @!p1 $0xFA0, s1  }
0x128: {  	s11 =	simm.s32 $0x1F;
	_ =	swait.ge [sflag:s21], $0x1F40;
	s0 =	sadd.s32 @!p1 s4, s0  }
0x129: {  	s14 =	simm.s32 $0x1E;
	[sflag:s21] =	ssyncset.done $0x0;
	s0 =	sadd.s32 @!p1 s1, s0  }
0x12a: {  	s7 =	simm.s32 @!p1 $0x0;
	[sflag:s21] =	ssyncadd.s32 $0xFFFFE0C0;
	s0 =	sshrl.u32 @!p1 s0, $0x3  }
0x12b: {  	s4 =	simm.s32 @!p1 $0x3E800;
	s1 =	simm.s32 @!p1 $0xFA0;
	s0 =	sadd.s32 @!p1 s5, s0  }
0x12c: {  	v1 =	vadd.s32 s11, v0;
	[tilespmem:s7], [sflag:$0x1] =	stream.strided.gather @!p1 [hbm4b:s0+s1], $0x1F40, s4, s1, $0x38;
	[tilespmem:$0x138B0] =	vst v63  }
0x12d: {  	v2 =	vadd.s32 s14, v0;
	s26 =	simm.s32 $0x18;
	s0 =	simm.s32 @!p0 $0x4  }
0x12e: {  	s30 =	simm.s32 $0x19;
	v3 =	vadd.s32 s26, v0;
	_ =	swait.ge @!p0 [sflag:s0], $0x7D00  }
0x12f: {  	s31 =	simm.s32 $0x1A;
	v4 =	vadd.s32 s30, v0;
	[sflag:s0] =	ssyncset.done @!p0 $0x0  }
0x130: {  	v5 =	vadd.s32 s31, v0;
	s1 =	simm.s32 $0x1B;
	[sflag:s0] =	ssyncadd.s32 @!p0 $0xFFFF8300  }
0x131: {  	s4 =	simm.s32 $0x1C;
	v6 =	vadd.s32 s1, v0;
	v1 =	vld.idx.msk [tilespmem:v1+s18+$0x0], $0xffff  }
0x132: {  	s7 =	simm.s32 $0x1D;
	v7 =	vadd.s32 s4, v0;
	v2 =	vld.idx.msk [tilespmem:v2+s18+$0x0], $0xffff  }
0x133: {  	s26 =	simm.s32 $0x3;
	v8 =	vadd.s32 s7, v0;
	v3 =	vld.idx.msk [tilespmem:v3+s18+$0x0], $0xffff  }
0x134: {  	s11 =	simm.s32 $0x1;
	v19 =	vadd.s32 s26, v0;
	v4 =	vld.idx.msk [tilespmem:v4+s18+$0x0], $0xffff  }
0x135: {  	s14 =	simm.s32 $0x2;
	v10 =	vadd.s32 s11, v0;
	v5 =	vld.idx.msk [tilespmem:v5+s18+$0x0], $0xffff  }
0x136: {  	s31 =	simm.s32 $0x4;
	v18 =	vadd.s32 s14, v0;
	v6 =	vld.idx.msk [tilespmem:v6+s18+$0x0], $0xffff  }
0x137: {  	s30 =	simm.s32 $0x0;
	v21 =	vadd.s32 s31, v0;
	s26 =	simm.s32 $0xBD80;
	v7 =	vld.idx.msk [tilespmem:v7+s18+$0x0], $0xffff  }
0x138: {  	v20 =	vadd.s32 s30, v0;
	s4 =	simm.s32 $0x5;
	v8 =	vld.idx.msk [tilespmem:v8+s18+$0x0], $0xffff;
	[tilespmem:s26+$0x1C0] =	vst v2  }
0x139: {  	s7 =	simm.s32 $0x6;
	v22 =	vadd.s32 s4, v0;
	v55 =	vld.idx.msk [tilespmem:v19+s18+$0x0], $0xffff;
	[tilespmem:s26+$0x100] =	vst v3  }
0x13a: {  	s11 =	simm.s32 $0x7;
	v2 =	vld.idx.msk [tilespmem:v10+s18+$0x0], $0xffff;
	v10 =	vadd.s32 s7, v0;
	[tilespmem:s26+$0x120] =	vst v4  }
0x13b: {  	s31 =	simm.s32 $0xA;
	v3 =	vld.idx.msk [tilespmem:v18+s18+$0x0], $0xffff;
	v18 =	vadd.s32 s11, v0;
	[tilespmem:s26+$0x140] =	vst v5  }
0x13c: {  	s14 =	simm.s32 $0x8;
	v57 =	vld.idx.msk [tilespmem:v21+s18+$0x0], $0xffff;
	v21 =	vadd.s32 s31, v0;
	[tilespmem:s26+$0x1E0] =	vst v1  }
0x13d: {  	s30 =	simm.s32 $0x9;
	v19 =	vadd.s32 s14, v0;
	v56 =	vld.idx.msk [tilespmem:v20+s18+$0x0], $0xffff;
	[tilespmem:s26+$0x160] =	vst v6  }
0x13e: {  	s1 =	simm.s32 $0xB;
	v20 =	vadd.s32 s30, v0;
	v58 =	vld.idx.msk [tilespmem:v22+s18+$0x0], $0xffff;
	[tilespmem:s26+$0x180] =	vst v7  }
0x13f: {  	s4 =	simm.s32 $0xC;
	v22 =	vadd.s32 s1, v0;
	[tilespmem:s26+$0x1A0] =	vst v8;
	v8 =	vld.idx.msk [tilespmem:v10+s18+$0x0], $0xffff  }
0x140: {  	s7 =	simm.s32 $0xD;
	v10 =	vadd.s32 s4, v0;
	v1 =	vld.idx.msk [tilespmem:v18+s18+$0x0], $0xffff;
	[tilespmem:s26+$0xFFFFFE20] =	vst v2  }
0x141: {  	s11 =	simm.s32 $0xE;
	v59 =	vld.idx.msk [tilespmem:v21+s18+$0x0], $0xffff;
	v18 =	vadd.s32 s7, v0;
	[tilespmem:s26+$0xFFFFFE40] =	vst v3  }
0x142: {  	s14 =	simm.s32 $0xF;
	v2 =	vld.idx.msk [tilespmem:v19+s18+$0x0], $0xffff;
	v19 =	vadd.s32 s11, v0;
	[tilespmem:s26+$0xFFFFFE00] =	vst v56  }
0x143: {  	s30 =	simm.s32 $0x10;
	v3 =	vld.idx.msk [tilespmem:v20+s18+$0x0], $0xffff;
	v20 =	vadd.s32 s14, v0;
	[tilespmem:s26+$0xFFFFFE60] =	vst v55  }
0x144: {  	s31 =	simm.s32 $0x11;
	v21 =	vadd.s32 s30, v0;
	v60 =	vld.idx.msk [tilespmem:v22+s18+$0x0], $0xffff;
	[tilespmem:s26+$0xFFFFFE80] =	vst v57  }
0x145: {  	v22 =	vadd.s32 s31, v0;
	s4 =	simm.s32 $0x12;
	[tilespmem:s26+$0xFFFFFEA0] =	vst v58;
	v61 =	vld.idx.msk [tilespmem:v10+s18+$0x0], $0xffff  }
0x146: {  	s7 =	simm.s32 $0x13;
	v10 =	vadd.s32 s4, v0;
	v62 =	vld.idx.msk [tilespmem:v18+s18+$0x0], $0xffff;
	[tilespmem:s26+$0xFFFFFEC0] =	vst v8  }
0x147: {  	s11 =	simm.s32 $0x14;
	v18 =	vadd.s32 s7, v0;
	v8 =	vld.idx.msk [tilespmem:v19+s18+$0x0], $0xffff;
	[tilespmem:s26+$0xFFFFFEE0] =	vst v1  }
0x148: {  	s14 =	simm.s32 $0x15;
	v19 =	vadd.s32 s11, v0;
	v1 =	vld.idx.msk [tilespmem:v20+s18+$0x0], $0xffff;
	[tilespmem:s26+$0xFFFFFF00] =	vst v2  }
0x149: {  	s30 =	simm.s32 $0x16;
	v20 =	vadd.s32 s14, v0;
	v2 =	vld.idx.msk [tilespmem:v21+s18+$0x0], $0xffff;
	[tilespmem:s26+$0xFFFFFF20] =	vst v3  }
0x14a: {  	v23 =	vadd.s32 s30, v0;
	s31 =	simm.s32 $0x17;
	v3 =	vld.idx.msk [tilespmem:v22+s18+$0x0], $0xffff;
	[tilespmem:s26+$0xFFFFFF40] =	vst v59  }
0x14b: {  	v24 =	vadd.s32 s31, v0;
	[tilespmem:s26+$0xFFFFFF60] =	vst v60;
	v63 =	vld.idx.msk [tilespmem:v10+s18+$0x0], $0xffff  }
0x14c: {  	v22 =	vld.idx.msk [tilespmem:v18+s18+$0x0], $0xffff;
	[tilespmem:s26+$0xFFFFFF80] =	vst v61  }
0x14d: {  	v21 =	vld.idx.msk [tilespmem:v19+s18+$0x0], $0xffff;
	[tilespmem:s26+$0xFFFFFFA0] =	vst v62  }
0x14e: {  	v20 =	vld.idx.msk [tilespmem:v20+s18+$0x0], $0xffff;
	[tilespmem:s26+$0xFFFFFFC0] =	vst v8  }
0x14f: {  	v19 =	vld.idx.msk [tilespmem:v23+s18+$0x0], $0xffff;
	[tilespmem:s26+$0xFFFFFFE0] =	vst v1  }
0x150: {  	v18 =	vld.idx.msk [tilespmem:v24+s18+$0x0], $0xffff;
	[tilespmem:s26+$0x0] =	vst v2  }
0x151: {  	[tilespmem:s26+$0x20] =	vst v3  }
0x152: {  	s0 =	simm.s32 $0x0;
	s4 =	simm.s32 $0x3F;
	[tilespmem:s26+$0x40] =	vst v63;
	v63 =	vmov v11  }
.LBB2_9:
0x153: {  	s1 =	sadd.s32 $0xFFFFFFE2, s4;
	s7 =	sadd.s32 $0xFFFFFFFF, s4;
	v1 =	vadd.s32 s4, v0;
	s0 =	sadd.s32 $0x4, s0;
	[tilespmem:s26+$0x60] =	vst v22  }
0x154: {  	s11 =	sadd.s32 $0xFFFFFFF9, s4;
	v2 =	vadd.s32 s1, v0;
	s1 =	sadd.s32 $0xFFFFFFE3, s4;
	v3 =	vadd.s32 s7, v0;
	p0 =	slt.u32 s0, $0x78;
	[tilespmem:s26+$0x80] =	vst v21  }
0x155: {  	s7 =	sadd.s32 $0xFFFFFFE5, s4;
	v5 =	vadd.s32 s11, v0;
	s11 =	sadd.s32 $0xFFFFFFFA, s4;
	v4 =	vadd.s32 s1, v0;
	s1 =	sadd.s32 $0xFFFFFFE4, s4;
	[tilespmem:s26+$0xA0] =	vst v20  }
0x156: {  	v7 =	vadd.s32 s7, v0;
	s7 =	sadd.s32 $0xFFFFFFE7, s4;
	v8 =	vadd.s32 s11, v0;
	s11 =	sadd.s32 $0xFFFFFFFB, s4;
	v6 =	vadd.s32 s1, v0;
	s1 =	sadd.s32 $0xFFFFFFE6, s4;
	[tilespmem:s26+$0xC0] =	vst v19  }
0x157: {  	v19 =	vadd.s32 s7, v0;
	s7 =	sadd.s32 $0xFFFFFFE9, s4;
	v20 =	vadd.s32 s11, v0;
	s11 =	sadd.s32 $0xFFFFFFFC, s4;
	v10 =	vadd.s32 s1, v0;
	s1 =	sadd.s32 $0xFFFFFFE8, s4;
	[tilespmem:s26+$0xE0] =	vst v18  }
0x158: {  	v21 =	vadd.s32 s7, v0;
	s7 =	sadd.s32 $0xFFFFFFEB, s4;
	v22 =	vadd.s32 s11, v0;
	s11 =	sadd.s32 $0xFFFFFFFD, s4;
	v18 =	vadd.s32 s1, v0;
	s1 =	sadd.s32 $0xFFFFFFEA, s4;
	v1 =	vld.idx.msk [tilespmem:v1+s18+$0x0], $0xffff  }
0x159: {  	v24 =	vadd.s32 s7, v0;
	s7 =	sadd.s32 $0xFFFFFFED, s4;
	v25 =	vadd.s32 s11, v0;
	s11 =	sadd.s32 $0xFFFFFFFE, s4;
	v23 =	vadd.s32 s1, v0;
	s1 =	sadd.s32 $0xFFFFFFEC, s4;
	v3 =	vld.idx.msk [tilespmem:v3+s18+$0x0], $0xffff  }
0x15a: {  	s14 =	sadd.s32 $0xFFFFFFF0, s4;
	v27 =	vadd.s32 s7, v0;
	s7 =	sadd.s32 $0xFFFFFFEF, s4;
	v28 =	vadd.s32 s11, v0;
	v26 =	vadd.s32 s1, v0;
	s1 =	sadd.s32 $0xFFFFFFEE, s4;
	v5 =	vld.idx.msk [tilespmem:v5+s18+$0x0], $0xffff  }
0x15b: {  	v31 =	vadd.s32 s14, v0;
	s11 =	sadd.s32 $0xFFFFFFF3, s4;
	v30 =	vadd.s32 s7, v0;
	s7 =	sadd.s32 $0xFFFFFFF2, s4;
	v29 =	vadd.s32 s1, v0;
	s1 =	sadd.s32 $0xFFFFFFF1, s4;
	v8 =	vld.idx.msk [tilespmem:v8+s18+$0x0], $0xffff  }
0x15c: {  	v34 =	vadd.s32 s11, v0;
	s11 =	sadd.s32 $0xFFFFFFF6, s4;
	v33 =	vadd.s32 s7, v0;
	s7 =	sadd.s32 $0xFFFFFFF5, s4;
	v32 =	vadd.s32 s1, v0;
	s1 =	sadd.s32 $0xFFFFFFF4, s4;
	v20 =	vld.idx.msk [tilespmem:v20+s18+$0x0], $0xffff  }
0x15d: {  	s14 =	sadd.s32 $0xFFFFFFE1, s4;
	v37 =	vadd.s32 s11, v0;
	v36 =	vadd.s32 s7, v0;
	s7 =	sadd.s32 $0xFFFFFFF8, s4;
	v35 =	vadd.s32 s1, v0;
	s1 =	sadd.s32 $0xFFFFFFF7, s4;
	v22 =	vld.idx.msk [tilespmem:v22+s18+$0x0], $0xffff  }
0x15e: {  	v38 =	vadd.s32 s14, v0;
	s26 =	sadd.s32 $0x400, s26;
	v40 =	vadd.s32 s7, v0;
	v39 =	vadd.s32 s1, v0;
	v25 =	vld.idx.msk [tilespmem:v25+s18+$0x0], $0xffff  }
0x15f: {  	v28 =	vld.idx.msk [tilespmem:v28+s18+$0x0], $0xffff;
	[tilespmem:s26+$0x1C0] =	vst v3  }
0x160: {  	v2 =	vld.idx.msk [tilespmem:v2+s18+$0x0], $0xffff;
	[tilespmem:s26+$0x100] =	vst v5  }
0x161: {  	v3 =	vld.idx.msk [tilespmem:v4+s18+$0x0], $0xffff;
	[tilespmem:s26+$0x120] =	vst v8  }
0x162: {  	v4 =	vld.idx.msk [tilespmem:v6+s18+$0x0], $0xffff;
	[tilespmem:s26+$0x140] =	vst v20  }
0x163: {  	v5 =	vld.idx.msk [tilespmem:v38+s18+$0x0], $0xffff;
	[tilespmem:s26+$0x160] =	vst v22  }
0x164: {  	v6 =	vld.idx.msk [tilespmem:v7+s18+$0x0], $0xffff;
	[tilespmem:s26+$0x180] =	vst v25  }
0x165: {  	v7 =	vld.idx.msk [tilespmem:v10+s18+$0x0], $0xffff;
	[tilespmem:s26+$0x1A0] =	vst v28  }
0x166: {  	v8 =	vld.idx.msk [tilespmem:v19+s18+$0x0], $0xffff;
	[tilespmem:s26+$0x1E0] =	vst v1  }
0x167: {  	v1 =	vld.idx.msk [tilespmem:v18+s18+$0x0], $0xffff;
	[tilespmem:s26+$0xFFFFFE20] =	vst v2  }
0x168: {  	[tilespmem:s26+$0xFFFFFE40] =	vst v3;
	v2 =	vld.idx.msk [tilespmem:v21+s18+$0x0], $0xffff  }
0x169: {  	[tilespmem:s26+$0xFFFFFE00] =	vst v5;
	v3 =	vld.idx.msk [tilespmem:v23+s18+$0x0], $0xffff  }
0x16a: {  	[tilespmem:s26+$0xFFFFFE60] =	vst v4;
	v4 =	vld.idx.msk [tilespmem:v24+s18+$0x0], $0xffff  }
0x16b: {  	[tilespmem:s26+$0xFFFFFE80] =	vst v6;
	v5 =	vld.idx.msk [tilespmem:v26+s18+$0x0], $0xffff  }
0x16c: {  	[tilespmem:s26+$0xFFFFFEA0] =	vst v7;
	v6 =	vld.idx.msk [tilespmem:v27+s18+$0x0], $0xffff  }
0x16d: {  	[tilespmem:s26+$0xFFFFFEC0] =	vst v8;
	v7 =	vld.idx.msk [tilespmem:v29+s18+$0x0], $0xffff  }
0x16e: {  	[tilespmem:s26+$0xFFFFFEE0] =	vst v1;
	v1 =	vld.idx.msk [tilespmem:v30+s18+$0x0], $0xffff  }
0x16f: {  	v8 =	vld.idx.msk [tilespmem:v31+s18+$0x0], $0xffff;
	[tilespmem:s26+$0xFFFFFF00] =	vst v2  }
0x170: {  	[tilespmem:s26+$0xFFFFFF20] =	vst v3;
	v2 =	vld.idx.msk [tilespmem:v32+s18+$0x0], $0xffff  }
0x171: {  	[tilespmem:s26+$0xFFFFFF40] =	vst v4;
	v3 =	vld.idx.msk [tilespmem:v33+s18+$0x0], $0xffff  }
0x172: {  	[tilespmem:s26+$0xFFFFFF60] =	vst v5;
	v4 =	vld.idx.msk [tilespmem:v34+s18+$0x0], $0xffff  }
0x173: {  	[tilespmem:s26+$0xFFFFFF80] =	vst v6;
	v22 =	vld.idx.msk [tilespmem:v35+s18+$0x0], $0xffff  }
0x174: {  	[tilespmem:s26+$0xFFFFFFA0] =	vst v7;
	v21 =	vld.idx.msk [tilespmem:v36+s18+$0x0], $0xffff  }
.Ltmp3:
0x175: {  	[tilespmem:s26+$0xFFFFFFC0] =	vst v1;
	v20 =	vld.idx.msk [tilespmem:v37+s18+$0x0], $0xffff;
	(pc) =	sbr.rel @p0 .LBB2_9-.Ltmp3, $4  }
0x176: {  	[tilespmem:s26+$0xFFFFFFE0] =	vst v8;
	v19 =	vld.idx.msk [tilespmem:v39+s18+$0x0], $0xffff  }
0x177: {  	v18 =	vld.idx.msk [tilespmem:v40+s18+$0x0], $0xffff;
	[tilespmem:s26+$0x0] =	vst v2  }
0x178: {  	[tilespmem:s26+$0x20] =	vst v3  }
0x179: {  	s4 =	sadd.s32 $0x20, s4;
	[tilespmem:s26+$0x40] =	vst v4  }
0x17a: {  	[tilespmem:s26+$0x60] =	vst v22  }
0x17b: {  	[tilespmem:s26+$0x80] =	vst v21  }
0x17c: {  	[tilespmem:s26+$0xA0] =	vst v20  }
0x17d: {  	[tilespmem:s26+$0xC0] =	vst v19  }
0x17e: {  	[tilespmem:s26+$0xE0] =	vst v18  }
0x17f: {  	v2 =	vld [tilespmem:$0x1FF70]  }
0x180: {  	v3 =	vld [tilespmem:$0x1FF80]  }
0x181: {  	v4 =	vld [tilespmem:$0x1FF90]  }
0x182: {  	v5 =	vld [tilespmem:$0x1FFA0]  }
0x183: {  	v6 =	vld [tilespmem:$0x1FFB0]  }
0x184: {  	v7 =	vld [tilespmem:$0x1FFC0]  }
0x185: {  	v8 =	vld [tilespmem:$0x1FFD0]  }
0x186: {  	v1 =	vld.idx.msk [tilespmem:v63+s18+$0x0], $0xffff  }
0x187: {  	v2 =	vld.idx.msk [tilespmem:v2+s18+$0x0], $0xffff  }
0x188: {  	v3 =	vld.idx.msk [tilespmem:v3+s18+$0x0], $0xffff  }
0x189: {  	v4 =	vld.idx.msk [tilespmem:v4+s18+$0x0], $0xffff  }
0x18a: {  	v5 =	vld.idx.msk [tilespmem:v5+s18+$0x0], $0xffff  }
0x18b: {  	v6 =	vld.idx.msk [tilespmem:v6+s18+$0x0], $0xffff  }
0x18c: {  	v7 =	vld.idx.msk [tilespmem:v7+s18+$0x0], $0xffff  }
0x18d: {  	v8 =	vld.idx.msk [tilespmem:v8+s18+$0x0], $0xffff;
	[tilespmem:$0x13780] =	vst v1  }
0x18e: {  	s4 =	simm.s32 $0x10;
	[tilespmem:$0x137A0] =	vst v2  }
0x18f: {  	s0 =	simm.s32 $0x0;
	v24 =	vadd.s32 s4, v0;
	[tilespmem:$0x137C0] =	vst v3  }
0x190: {  	v24 =	vand.u32 $0x7FFFFFF8, v24;
	v1 =	vadd.s32 s0, v9;
	[tilespmem:$0x137E0] =	vst v4  }
0x191: {  	v26 =	vadd.s32 $0xFA1, v24;
	[tilespmem:$0x13800] =	vst v5  }
0x192: {  	v27 =	vadd.s32 $0xFA2, v24;
	[tilespmem:$0x13820] =	vst v6  }
0x193: {  	v28 =	vadd.s32 $0xFA3, v24;
	[tilespmem:$0x13840] =	vst v7  }
0x194: {  	v29 =	vadd.s32 $0xFA4, v24;
	[tilespmem:$0x13860] =	vst v8  }
0x195: {  	v30 =	vadd.s32 s0, v0;
	v31 =	vadd.s32 $0xFA5, v24;
	v18 =	vld.idx.msk [tilespmem:v1+s18+$0x0], $0xffff  }
0x196: {  	v30 =	vand.u32 $0x1FF8, v30;
	v32 =	vadd.s32 $0xFA6, v24;
	v26 =	vld.idx.msk [tilespmem:v26+s18+$0x0], $0xffff  }
0x197: {  	v33 =	vadd.s32 $0xFA1, v30;
	v27 =	vld.idx.msk [tilespmem:v27+s18+$0x0], $0xffff  }
0x198: {  	v34 =	vadd.s32 $0xFA2, v30;
	v28 =	vld.idx.msk [tilespmem:v28+s18+$0x0], $0xffff  }
0x199: {  	v36 =	vadd.s32 $0xFA4, v30;
	v29 =	vld.idx.msk [tilespmem:v29+s18+$0x0], $0xffff  }
0x19a: {  	v37 =	vadd.s32 $0xFA5, v30;
	v31 =	vld.idx.msk [tilespmem:v31+s18+$0x0], $0xffff  }
0x19b: {  	v49 =	vadd.s32 $0xFA6, v30;
	v48 =	vld.idx.msk [tilespmem:v32+s18+$0x0], $0xffff  }
0x19c: {  	s1 =	simm.s32 $0x18;
	v35 =	vadd.s32 $0xFA3, v30;
	v30 =	vadd.s32 $0xFA7, v30;
	v50 =	vld.idx.msk [tilespmem:v33+s18+$0x0], $0xffff  }
0x19d: {  	v24 =	vadd.s32 $0xFA7, v24;
	v2 =	vadd.s32 s1, v0;
	v51 =	vld.idx.msk [tilespmem:v34+s18+$0x0], $0xffff  }
0x19e: {  	v3 =	vadd.s32 s1, v9;
	v2 =	vand.u32 $0x7FFFFFF8, v2;
	v53 =	vld.idx.msk [tilespmem:v36+s18+$0x0], $0xffff  }
0x19f: {  	v38 =	vld.idx.msk [tilespmem:v37+s18+$0x0], $0xffff;
	v44 =	vadd.s32 $0xFA7, v2  }
0x1a0: {  	v39 =	vld.idx.msk [tilespmem:v49+s18+$0x0], $0xffff;
	v45 =	vadd.s32 $0xFA1, v2  }
0x1a1: {  	v40 =	vld.idx.msk [tilespmem:v30+s18+$0x0], $0xffff;
	v46 =	vadd.s32 $0xFA2, v2  }
0x1a2: {  	v24 =	vld.idx.msk [tilespmem:v24+s18+$0x0], $0xffff;
	v1 =	vadd.s32 $0xFA3, v2  }
0x1a3: {  	s11 =	simm.s32 $0x8;
	v47 =	vadd.s32 $0xFA4, v2;
	v3 =	vld.idx.msk [tilespmem:v3+s18+$0x0], $0xffff  }
0x1a4: {  	v8 =	vadd.s32 s11, v0;
	v10 =	vadd.s32 $0xFA5, v2;
	v4 =	vld.idx.msk [tilespmem:v44+s18+$0x0], $0xffff  }
0x1a5: {  	v8 =	vand.u32 $0x7FFFFFF8, v8;
	v2 =	vadd.s32 $0xFA6, v2;
	v5 =	vld.idx.msk [tilespmem:v45+s18+$0x0], $0xffff  }
0x1a6: {  	v19 =	vadd.s32 $0xFA1, v8;
	v6 =	vld.idx.msk [tilespmem:v46+s18+$0x0], $0xffff  }
0x1a7: {  	v20 =	vadd.s32 $0xFA2, v8;
	v1 =	vld.idx.msk [tilespmem:v1+s18+$0x0], $0xffff  }
0x1a8: {  	v21 =	vadd.s32 $0xFA3, v8;
	v7 =	vld.idx.msk [tilespmem:v47+s18+$0x0], $0xffff  }
0x1a9: {  	s26 =	simm.s32 $0xBD90;
	v22 =	vadd.s32 $0xFA4, v8;
	v10 =	vld.idx.msk [tilespmem:v10+s18+$0x0], $0xffff  }
0x1aa: {  	v23 =	vadd.s32 $0xFA5, v8;
	v2 =	vld.idx.msk [tilespmem:v2+s18+$0x0], $0xffff;
	[tilespmem:s26+$0x100] =	vst v3  }
0x1ab: {  	v25 =	vadd.s32 $0xFA6, v8;
	v19 =	vld.idx.msk [tilespmem:v19+s18+$0x0], $0xffff;
	[tilespmem:s26+$0x1E0] =	vst v4  }
0x1ac: {  	s30 =	simm.s32 $0x28;
	v8 =	vadd.s32 $0xFA7, v8;
	v20 =	vld.idx.msk [tilespmem:v20+s18+$0x0], $0xffff;
	[tilespmem:s26+$0x120] =	vst v5  }
0x1ad: {  	v56 =	vadd.s32 s30, v0;
	v21 =	vld.idx.msk [tilespmem:v21+s18+$0x0], $0xffff;
	[tilespmem:s26+$0x140] =	vst v6  }
0x1ae: {  	v52 =	vadd.s32 s11, v9;
	v32 =	vand.u32 $0x7FFFFFF8, v56;
	v22 =	vld.idx.msk [tilespmem:v22+s18+$0x0], $0xffff;
	[tilespmem:s26+$0x160] =	vst v1  }
0x1af: {  	s14 =	simm.s32 $0x38;
	v57 =	vadd.s32 $0xFA1, v32;
	v23 =	vld.idx.msk [tilespmem:v23+s18+$0x0], $0xffff;
	[tilespmem:s26+$0x180] =	vst v7  }
0x1b0: {  	v54 =	vadd.s32 s4, v9;
	v25 =	vld.idx.msk [tilespmem:v25+s18+$0x0], $0xffff;
	[tilespmem:s26+$0x1A0] =	vst v10;
	v10 =	vadd.s32 s14, v0  }
0x1b1: {  	v8 =	vld.idx.msk [tilespmem:v8+s18+$0x0], $0xffff;
	[tilespmem:s26+$0x1C0] =	vst v2;
	v2 =	vadd.s32 s14, v9;
	v10 =	vand.u32 $0x7FFFFFF8, v10  }
0x1b2: {  	v1 =	vld.idx.msk [tilespmem:v35+s18+$0x0], $0xffff;
	[tilespmem:s26+$0xFFFFFE20] =	vst v50;
	v3 =	vadd.s32 $0xFA7, v10  }
0x1b3: {  	v45 =	vld.idx.msk [tilespmem:v52+s18+$0x0], $0xffff;
	[tilespmem:s26+$0xFFFFFF20] =	vst v19;
	v55 =	vadd.s32 $0xFA1, v10  }
0x1b4: {  	v36 =	vld.idx.msk [tilespmem:v57+s18+$0x0], $0xffff;
	[tilespmem:s26+$0xFFFFFF40] =	vst v20;
	v19 =	vadd.s32 $0xFA2, v10  }
0x1b5: {  	v20 =	vld.idx.msk [tilespmem:v54+s18+$0x0], $0xffff;
	[tilespmem:s26+$0xFFFFFF60] =	vst v21;
	v30 =	vadd.s32 $0xFA3, v10  }
0x1b6: {  	s31 =	simm.s32 $0x20;
	[tilespmem:s26+$0xFFFFFF80] =	vst v22;
	v22 =	vadd.s32 $0xFA5, v10;
	v21 =	vld.idx.msk [tilespmem:v2+s18+$0x0], $0xffff  }
0x1b7: {  	[tilespmem:s26+$0xFFFFFFA0] =	vst v23;
	v23 =	vadd.s32 s31, v9;
	v3 =	vld.idx.msk [tilespmem:v3+s18+$0x0], $0xffff  }
0x1b8: {  	[tilespmem:s26+$0xFFFFFFC0] =	vst v25;
	v2 =	vadd.s32 $0xFA4, v10;
	v5 =	vld.idx.msk [tilespmem:v55+s18+$0x0], $0xffff  }
0x1b9: {  	[tilespmem:s26+$0xFFFFFFE0] =	vst v8;
	v10 =	vadd.s32 $0xFA6, v10;
	v25 =	vld.idx.msk [tilespmem:v19+s18+$0x0], $0xffff  }
0x1ba: {  	[tilespmem:s26+$0x20] =	vst v26;
	v26 =	vadd.s32 $0xFA3, v32;
	v8 =	vld.idx.msk [tilespmem:v30+s18+$0x0], $0xffff  }
0x1bb: {  	[tilespmem:s26+$0x40] =	vst v27;
	v30 =	vadd.s32 $0xFA2, v32;
	v22 =	vld.idx.msk [tilespmem:v22+s18+$0x0], $0xffff  }
0x1bc: {  	v27 =	vadd.s32 $0xFA4, v32;
	[tilespmem:s26+$0x60] =	vst v28;
	v19 =	vld.idx.msk [tilespmem:v23+s18+$0x0], $0xffff  }
0x1bd: {  	s7 =	simm.s32 $0x30;
	s0 =	simm.s32 $0xC190;
	v28 =	vadd.s32 $0xFA6, v32;
	[tilespmem:s26+$0x80] =	vst v29;
	v2 =	vld.idx.msk [tilespmem:v2+s18+$0x0], $0xffff  }
0x1be: {  	v23 =	vadd.s32 $0xFA5, v32;
	v10 =	vld.idx.msk [tilespmem:v10+s18+$0x0], $0xffff;
	[tilespmem:s0+$0x1E0] =	vst v3;
	v3 =	vadd.s32 s7, v0  }
0x1bf: {  	v29 =	vadd.s32 $0xFA7, v32;
	[tilespmem:s26+$0xA0] =	vst v31;
	v35 =	vld.idx.msk [tilespmem:v26+s18+$0x0], $0xffff;
	v3 =	vand.u32 $0x7FFFFFF8, v3  }
0x1c0: {  	[tilespmem:s26+$0xC0] =	vst v48;
	v37 =	vld.idx.msk [tilespmem:v30+s18+$0x0], $0xffff;
	v30 =	vadd.s32 $0xFA1, v3  }
0x1c1: {  	[tilespmem:s26+$0xE0] =	vst v24;
	v34 =	vld.idx.msk [tilespmem:v27+s18+$0x0], $0xffff;
	v58 =	vadd.s32 $0xFA2, v3  }
0x1c2: {  	[tilespmem:s26+$0xFFFFFE40] =	vst v51;
	v31 =	vld.idx.msk [tilespmem:v28+s18+$0x0], $0xffff;
	v24 =	vadd.s32 $0xFA3, v3  }
0x1c3: {  	[tilespmem:s26+$0xFFFFFE80] =	vst v53;
	v33 =	vld.idx.msk [tilespmem:v23+s18+$0x0], $0xffff;
	v59 =	vadd.s32 $0xFA4, v3  }
0x1c4: {  	[tilespmem:s0+$0x140] =	vst v25;
	v25 =	vld.idx.msk [tilespmem:v29+s18+$0x0], $0xffff;
	v60 =	vadd.s32 $0xFA5, v3  }
0x1c5: {  	[tilespmem:s0+$0x160] =	vst v8;
	v8 =	vadd.s32 s31, v0;
	v41 =	vadd.s32 $0xFA6, v3;
	v26 =	vld.idx.msk [tilespmem:v30+s18+$0x0], $0xffff  }
0x1c6: {  	v3 =	vadd.s32 $0xFA7, v3;
	[tilespmem:s0+$0x180] =	vst v2;
	v2 =	vand.u32 $0x1FF8, v8;
	v27 =	vld.idx.msk [tilespmem:v58+s18+$0x0], $0xffff  }
0x1c7: {  	[tilespmem:s26+$0xFFFFFEA0] =	vst v38;
	v61 =	vadd.s32 $0xFA1, v2;
	v28 =	vld.idx.msk [tilespmem:v24+s18+$0x0], $0xffff  }
0x1c8: {  	[tilespmem:s26+$0xFFFFFEC0] =	vst v39;
	v8 =	vadd.s32 $0xFA2, v2;
	v23 =	vld.idx.msk [tilespmem:v59+s18+$0x0], $0xffff  }
0x1c9: {  	[tilespmem:s26+$0xFFFFFEE0] =	vst v40;
	v62 =	vadd.s32 $0xFA3, v2;
	v29 =	vld.idx.msk [tilespmem:v60+s18+$0x0], $0xffff  }
0x1ca: {  	[tilespmem:s26+$0xFFFFFF00] =	vst v45;
	v43 =	vadd.s32 $0xFA4, v2;
	v30 =	vld.idx.msk [tilespmem:v41+s18+$0x0], $0xffff  }
0x1cb: {  	[tilespmem:s26+$0xFFFFFE60] =	vst v1;
	v42 =	vadd.s32 $0xFA5, v2;
	v32 =	vld.idx.msk [tilespmem:v3+s18+$0x0], $0xffff  }
0x1cc: {  	[tilespmem:s0+$0x120] =	vst v5;
	v41 =	vadd.s32 $0xFA6, v2;
	v44 =	vld.idx.msk [tilespmem:v61+s18+$0x0], $0xffff  }
0x1cd: {  	[tilespmem:s0+$0x1A0] =	vst v22;
	v40 =	vadd.s32 $0xFA7, v2;
	v22 =	vld.idx.msk [tilespmem:v8+s18+$0x0], $0xffff  }
0x1ce: {  	s4 =	simm.s32 $0x4;
	s1 =	simm.s32 $0x40;
	v39 =	vadd.s32 s30, v9;
	v38 =	vadd.s32 s7, v9;
	[tilespmem:s0+$0x1C0] =	vst v10;
	v24 =	vld.idx.msk [tilespmem:v62+s18+$0x0], $0xffff  }
.LBB2_11:
0x1cf: {  	v1 =	vadd.s32 s1, v9;
	v2 =	vadd.s32 s1, v0;
	s11 =	sadd.s32 $0x8, s1;
	s7 =	sadd.s32 $0x18, s1;
	s4 =	sadd.s32 $0x4, s4;
	v3 =	vld.idx.msk [tilespmem:v43+s18+$0x0], $0xffff;
	[tilespmem:s26+$0x0] =	vst v20  }
0x1d0: {  	s14 =	sadd.s32 $0x10, s1;
	v2 =	vand.u32 $0x1FF8, v2;
	v4 =	vadd.s32 s11, v0;
	v5 =	vadd.s32 s7, v0;
	p0 =	slt.u32 s4, $0x78;
	v6 =	vld.idx.msk [tilespmem:v42+s18+$0x0], $0xffff;
	[tilespmem:s0+$0x100] =	vst v21  }
0x1d1: {  	v7 =	vadd.s32 s14, v0;
	v8 =	vadd.s32 s7, v9;
	v5 =	vand.u32 $0x7FFFFFF8, v5;
	v10 =	vld.idx.msk [tilespmem:v41+s18+$0x0], $0xffff;
	[tilespmem:s26+$0xFFFFFE00] =	vst v18;
	v18 =	vmovc v19;
	s26 =	smov.u32 s0  }
0x1d2: {  	v4 =	vand.u32 $0x7FFFFFF8, v4;
	v7 =	vand.u32 $0x7FFFFFF8, v7;
	v41 =	vadd.s32 $0xFA7, v5;
	v45 =	vld.idx.msk [tilespmem:v40+s18+$0x0], $0xffff;
	[tilespmem:s0+$0xFFFFFE20] =	vst v44  }
0x1d3: {  	v44 =	vadd.s32 $0xFA1, v4;
	v46 =	vadd.s32 $0xFA2, v4;
	v40 =	vadd.s32 $0xFA1, v5;
	v47 =	vld.idx.msk [tilespmem:v39+s18+$0x0], $0xffff;
	[tilespmem:s0+$0xFFFFFF20] =	vst v36  }
0x1d4: {  	v48 =	vadd.s32 $0xFA3, v4;
	v49 =	vadd.s32 $0xFA4, v4;
	v36 =	vadd.s32 $0xFA2, v5;
	[tilespmem:s0+$0xFFFFFF40] =	vst v37;
	v20 =	vld.idx.msk [tilespmem:v38+s18+$0x0], $0xffff  }
0x1d5: {  	v50 =	vadd.s32 $0xFA6, v4;
	v37 =	vadd.s32 $0xFA3, v5;
	v19 =	vld.idx.msk [tilespmem:v1+s18+$0x0], $0xffff;
	v1 =	vadd.s32 $0xFA5, v4;
	[tilespmem:s0+$0xFFFFFF60] =	vst v35  }
0x1d6: {  	v51 =	vadd.s32 $0xFA1, v7;
	v4 =	vadd.s32 $0xFA7, v4;
	v21 =	vld.idx.msk [tilespmem:v8+s18+$0x0], $0xffff;
	v8 =	vadd.s32 $0xFA4, v5;
	[tilespmem:s0+$0xFFFFFF80] =	vst v34  }
0x1d7: {  	v52 =	vadd.s32 $0xFA2, v7;
	v53 =	vadd.s32 $0xFA3, v7;
	v34 =	vadd.s32 $0xFA5, v5;
	v35 =	vld.idx.msk [tilespmem:v41+s18+$0x0], $0xffff;
	[tilespmem:s0+$0xFFFFFFA0] =	vst v33  }
0x1d8: {  	v54 =	vadd.s32 $0xFA4, v7;
	v55 =	vadd.s32 $0xFA5, v7;
	v5 =	vadd.s32 $0xFA6, v5;
	v56 =	vld.idx.msk [tilespmem:v40+s18+$0x0], $0xffff;
	[tilespmem:s0+$0xFFFFFFC0] =	vst v31  }
0x1d9: {  	v57 =	vadd.s32 $0xFA1, v2;
	v58 =	vadd.s32 $0xFA6, v7;
	v7 =	vadd.s32 $0xFA7, v7;
	v59 =	vld.idx.msk [tilespmem:v36+s18+$0x0], $0xffff;
	[tilespmem:s0+$0xFFFFFFE0] =	vst v25  }
0x1da: {  	v60 =	vadd.s32 $0xFA2, v2;
	v61 =	vadd.s32 $0xFA3, v2;
	v43 =	vadd.s32 $0xFA4, v2;
	v62 =	vld.idx.msk [tilespmem:v37+s18+$0x0], $0xffff;
	[tilespmem:s0+$0x20] =	vst v26  }
0x1db: {  	v42 =	vadd.s32 $0xFA5, v2;
	v41 =	vadd.s32 $0xFA6, v2;
	v40 =	vadd.s32 $0xFA7, v2;
	v2 =	vld.idx.msk [tilespmem:v8+s18+$0x0], $0xffff;
	[tilespmem:s0+$0x40] =	vst v27  }
0x1dc: {  	v39 =	vadd.s32 s11, v9;
	v38 =	vadd.s32 s14, v9;
	s0 =	sadd.s32 $0x400, s0;
	v8 =	vld.idx.msk [tilespmem:v34+s18+$0x0], $0xffff;
	[tilespmem:s26+$0x60] =	vst v28  }
0x1dd: {  	v5 =	vld.idx.msk [tilespmem:v5+s18+$0x0], $0xffff;
	[tilespmem:s0+$0x1E0] =	vst v35  }
0x1de: {  	v36 =	vld.idx.msk [tilespmem:v44+s18+$0x0], $0xffff;
	[tilespmem:s26+$0x80] =	vst v23  }
0x1df: {  	v37 =	vld.idx.msk [tilespmem:v46+s18+$0x0], $0xffff;
	[tilespmem:s26+$0xA0] =	vst v29  }
0x1e0: {  	v35 =	vld.idx.msk [tilespmem:v48+s18+$0x0], $0xffff;
	[tilespmem:s26+$0xC0] =	vst v30  }
0x1e1: {  	v34 =	vld.idx.msk [tilespmem:v49+s18+$0x0], $0xffff;
	[tilespmem:s26+$0xE0] =	vst v32  }
0x1e2: {  	v33 =	vld.idx.msk [tilespmem:v1+s18+$0x0], $0xffff;
	[tilespmem:s0+$0x120] =	vst v56  }
0x1e3: {  	v31 =	vld.idx.msk [tilespmem:v50+s18+$0x0], $0xffff;
	[tilespmem:s0+$0x140] =	vst v59  }
0x1e4: {  	v25 =	vld.idx.msk [tilespmem:v4+s18+$0x0], $0xffff;
	[tilespmem:s0+$0x160] =	vst v62  }
0x1e5: {  	v26 =	vld.idx.msk [tilespmem:v51+s18+$0x0], $0xffff;
	[tilespmem:s0+$0x180] =	vst v2  }
0x1e6: {  	v27 =	vld.idx.msk [tilespmem:v52+s18+$0x0], $0xffff;
	[tilespmem:s0+$0x1A0] =	vst v8  }
0x1e7: {  	v28 =	vld.idx.msk [tilespmem:v53+s18+$0x0], $0xffff;
	[tilespmem:s0+$0x1C0] =	vst v5  }
0x1e8: {  	v23 =	vld.idx.msk [tilespmem:v54+s18+$0x0], $0xffff;
	[tilespmem:s26+$0xFFFFFE40] =	vst v22  }
0x1e9: {  	v29 =	vld.idx.msk [tilespmem:v55+s18+$0x0], $0xffff;
	[tilespmem:s26+$0xFFFFFE60] =	vst v24  }
.Ltmp4:
0x1ea: {  	v30 =	vld.idx.msk [tilespmem:v58+s18+$0x0], $0xffff;
	[tilespmem:s26+$0xFFFFFE80] =	vst v3;
	(pc) =	sbr.rel @p0 .LBB2_11-.Ltmp4, $4  }
0x1eb: {  	v32 =	vld.idx.msk [tilespmem:v7+s18+$0x0], $0xffff;
	[tilespmem:s26+$0xFFFFFEA0] =	vst v6  }
0x1ec: {  	v44 =	vld.idx.msk [tilespmem:v57+s18+$0x0], $0xffff;
	[tilespmem:s26+$0xFFFFFEC0] =	vst v10  }
0x1ed: {  	v22 =	vld.idx.msk [tilespmem:v60+s18+$0x0], $0xffff;
	[tilespmem:s26+$0xFFFFFEE0] =	vst v45  }
0x1ee: {  	s1 =	sadd.s32 $0x20, s1;
	v24 =	vld.idx.msk [tilespmem:v61+s18+$0x0], $0xffff;
	[tilespmem:s26+$0xFFFFFF00] =	vst v47  }
0x1ef: {  	_ = 	snop  }
0x1f0: {  	[tilespmem:s26+$0x0] =	vst v20  }
0x1f1: {  	[tilespmem:s0+$0x100] =	vst v21  }
0x1f2: {  	[tilespmem:s26+$0xFFFFFE00] =	vst v18  }
0x1f3: {  	v5 =	vld.idx.msk [tilespmem:v39+s18+$0x0], $0xffff;
	[tilespmem:s0+$0xFFFFFF20] =	vst v36  }
0x1f4: {  	[tilespmem:s0+$0xFFFFFF40] =	vst v37  }
0x1f5: {  	[tilespmem:s0+$0xFFFFFF60] =	vst v35  }
0x1f6: {  	[tilespmem:s0+$0xFFFFFF80] =	vst v34  }
0x1f7: {  	[tilespmem:s0+$0xFFFFFFA0] =	vst v33  }
0x1f8: {  	[tilespmem:s0+$0xFFFFFFC0] =	vst v31  }
0x1f9: {  	[tilespmem:s0+$0xFFFFFFE0] =	vst v25  }
0x1fa: {  	v6 =	vld.idx.msk [tilespmem:v38+s18+$0x0], $0xffff;
	[tilespmem:s0+$0x20] =	vst v26  }
0x1fb: {  	[tilespmem:s0+$0x40] =	vst v27  }
0x1fc: {  	[tilespmem:s0+$0x60] =	vst v28  }
0x1fd: {  	v1 =	vld.idx.msk [tilespmem:v43+s18+$0x0], $0xffff;
	[tilespmem:s0+$0x80] =	vst v23  }
0x1fe: {  	v2 =	vld.idx.msk [tilespmem:v42+s18+$0x0], $0xffff;
	[tilespmem:s0+$0xA0] =	vst v29  }
0x1ff: {  	v3 =	vld.idx.msk [tilespmem:v41+s18+$0x0], $0xffff;
	[tilespmem:s0+$0xC0] =	vst v30  }
0x200: {  	v4 =	vld.idx.msk [tilespmem:v40+s18+$0x0], $0xffff;
	[tilespmem:s0+$0xFFFFFE00] =	vst v19  }
0x201: {  	[tilespmem:s0+$0xE0] =	vst v32  }
0x202: {  	[tilespmem:s0+$0xFFFFFE20] =	vst v44  }
0x203: {  	[tilespmem:s0+$0xFFFFFE40] =	vst v22  }
0x204: {  	[tilespmem:s0+$0xFFFFFE60] =	vst v24  }
0x205: {  	[tilespmem:s0+$0xFFFFFE80] =	vst v1  }
0x206: {  	[tilespmem:s0+$0xFFFFFEA0] =	vst v2  }
0x207: {  	[tilespmem:s0+$0xFFFFFEC0] =	vst v3  }
0x208: {  	[tilespmem:s0+$0xFFFFFEE0] =	vst v4  }
0x209: {  	[tilespmem:s0+$0xFFFFFF00] =	vst v5  }
0x20a: {  	[tilespmem:s0+$0x0] =	vst v6  }
0x20b: {  	v1 =	vld [tilespmem:$0x1FFE0]  }
0x20c: {  	v2 =	vld [tilespmem:$0x1FFF0]  }
0x20d: {  	v3 =	vld.idx.msk [tilespmem:v12+s18+$0x0], $0xffff  }
0x20e: {  	v4 =	vld.idx.msk [tilespmem:v13+s18+$0x0], $0xffff  }
0x20f: {  	v5 =	vld.idx.msk [tilespmem:v14+s18+$0x0], $0xffff  }
0x210: {  	v6 =	vld.idx.msk [tilespmem:v15+s18+$0x0], $0xffff  }
0x211: {  	v7 =	vld.idx.msk [tilespmem:v16+s18+$0x0], $0xffff  }
0x212: {  	v8 =	vld.idx.msk [tilespmem:v17+s18+$0x0], $0xffff  }
0x213: {  	v1 =	vld.idx.msk [tilespmem:v1+s18+$0x0], $0xffff  }
0x214: {  	v2 =	vld.idx.msk [tilespmem:v2+s18+$0x0], $0xffff;
	[tilespmem:$0x137D0] =	vst v3  }
0x215: {  	[tilespmem:$0x137F0] =	vst v4  }
0x216: {  	s31 =	sshll.u32 s29, $0x5;
	[tilespmem:$0x13810] =	vst v5  }
0x217: {  	s0 =	sand.u32 $0x60, s31;
	[tilespmem:$0x13830] =	vst v6  }
0x218: {  	s0 =	sor.u32 s0, s28;
	[tilespmem:$0x13850] =	vst v7  }
0x219: {  	s0 =	sshrl.u32 s0, $0x3;
	[tilespmem:$0x13870] =	vst v8  }
0x21a: {  	s1 =	simm.s32 $0xBB80;
	s0 =	sadd.s32 s2, s0;
	[tilespmem:$0x13790] =	vst v1  }
0x21b: {  	s4 =	simm.s32 $0x200;
	s11 =	simm.s32 $0xBC80;
	s14 =	sadd.s32 $0x0, s0;
	[tilespmem:$0x137B0] =	vst v2  }
.LBB2_13:
0x21c: {  	[hbm4b:s14+s19] =	stream.strided.scatter [tilespmem:s1], [sflag:$0x4], $0x100, s20, s19, $0x38;
	[tilespmem:$0x138B0] =	vst v63  }
0x21d: {  	s7 =	smov.u32 s4;
	s1 =	smov.u32 s11;
	p0 =	sne.s32 s4, $0xF800  }
.Ltmp5:
0x21e: {  	s4 =	sadd.s32 $0x200, s4;
	(pc) =	sbr.rel @p0 .LBB2_13-.Ltmp5, $2  }
0x21f: {  	_ =	sdelay $0x2  }
0x220: {  	s11 =	sadd.s32 $0x100, s11;
	s14 =	sadd.s32 s7, s0  }
0x221: {  	s25 =	sadd.s32 $0x1, s25  }
0x222: {  	p0 =	sne.s32 s25, $0x10  }
.Ltmp6:
0x223: {  	_ = 	snop;
	(pc) =	sbr.rel @p0 .LBB2_2-.Ltmp6, $2  }
0x224: {  	_ =	sdelay $0x2  }
0x225: {  	[hbm4b:s14+s19] =	stream.strided.scatter [tilespmem:s1], [sflag:$0x4], $0x100, s20, s19, $0x38;
	[tilespmem:$0x138B0] =	vst v63  }
0x226: {  	s24 =	sadd.s32 $0x1, s24  }
0x227: {  	_ =	swait.ge [sflag:s22], $0x7D00;
	p0 =	sne.s32 s24, s10  }
.Ltmp7:
0x228: {  	[sflag:s22] =	ssyncset.done $0x0;
	(pc) =	sbr.rel @p0 .LBB2_1-.Ltmp7, $4  }
0x229: {  	[sflag:s22] =	ssyncadd.s32 $0xFFFF8300  }
0x22a: {  	_ =	swait.ge [sflag:s23], $0x7D00  }
0x22b: {  	[sflag:s23] =	ssyncset.done $0x0  }
0x22c: {  	[sflag:s23] =	ssyncadd.s32 $0xFFFF8300  }
0x22d: {  	_ =	sfence.sel $0x180000  }
0x22e: {  	[bflag:$0x0] =	sbarrier.arrive $0xFFFF  }
0x22f: {  	_ =	strace $0x90000047  }
0x230: {  	s0 =	stileid.u32;
	[bflag:$0x2] =	sbarrier.arrive $0xFFFF  }
0x231: {  	p0 =	sne.s32 s0, $0x0;
	s0 =	rddreg [dreg:$0x4]  }
0x232: {  	s0 =	sadd.s32 @!p0 $0x100000, s0  }
0x233: {  	[sflag:s0] =	ssyncadd.tile.s32 @!p0 $0x1;
	_ =	shalt  }
.Lfunc_end2:
_tile_overlayer_lowered:
.L_overlay_start_2:
0x234: {  	(tag) =	ssettag $0x2  }
0x235: {  	s0 =	rddreg [dreg:$0x0];
	s2 =	stileid.u32  }
0x236: {  	s1 =	rddreg [dreg:$0x1];
	p0 =	sne.s32 s2, $0x0  }
0x237: {  	s3 =	rddreg [dreg:$0x2];
	[bflag:$0x3] =	sbarrier.arrive $0xFFFF;
	s2 =	simm.s32 @!p0 $0x1C05  }
0x238: {  	[timem:s3], [sflag:s2] =	dma.local @!p0 [hbm:s0], s1  }
0x239: {  	s0 =	simm.s32 @!p0 $0x5  }
0x23a: {  	_ =	swait.ge @!p0 [sflag:s0], s1  }
0x23b: {  	s1 =	ssub.s32 @!p0 $0x0, s1;
	[sflag:s0] =	ssyncset.done @!p0 $0x0  }
0x23c: {  	[sflag:s0] =	ssyncadd.s32 @!p0 s1  }
0x23d: {  	[bflag:$0x3] =	sbarrier.arrive $0xFFFF  }
0x23e: {  	_ =	shalt  }

</sc_bundles>
